<compile_context>
chip_gen: v7x
topology: tpu7x:2x2x1
jax: 0.10.2.dev20260603
libtpu: 0.0.44.dev20260713+nightly
codegen_flags: <defaults>
</compile_context>

<pallas_src>
import functools

import jax
import jax.numpy as jnp
from jax import lax
from jax.experimental import pallas as pl
from jax.experimental.pallas import tpu as pltpu
from jax.experimental.pallas import tpu_sc as plsc

NUM_CORES = 2
NUM_SUBCORES = 16
NUM_WORKERS = NUM_CORES * NUM_SUBCORES
LANES = 16

BATCH = 16384
EMBED_DIM = 64
ROWS_PER_WORKER = BATCH // NUM_WORKERS
CHUNK = 128
NUM_CHUNKS = ROWS_PER_WORKER // CHUNK
GROUPS = ROWS_PER_WORKER // LANES


def _bpr_body(users_hbm, items_hbm, utab_hbm, itab_hbm, out_hbm,
              idx_u, idx_i, rows_u, rows_i, out_v, scratch_flat, sem):
    wid = lax.axis_index("s") * NUM_CORES + lax.axis_index("c")

    base = wid * NUM_CHUNKS
    pltpu.sync_copy(users_hbm.at[pl.ds(base, NUM_CHUNKS)], idx_u)
    pltpu.sync_copy(items_hbm.at[pl.ds(base, NUM_CHUNKS)], idx_i)

    copies = []
    for c in range(NUM_CHUNKS):
        copies.append(pltpu.async_copy(
            utab_hbm.at[idx_u.at[c]], rows_u.at[pl.ds(c * CHUNK, CHUNK)], sem))
        copies.append(pltpu.async_copy(
            itab_hbm.at[idx_i.at[c]], rows_i.at[pl.ds(c * CHUNK, CHUNK)], sem))
    for cp in copies:
        cp.wait()

    iota = lax.iota(jnp.int32, LANES)

    def group(g, _):
        for k in range(LANES):
            r = g * LANES + k
            acc = rows_u[r, pl.ds(0, LANES)] * rows_i[r, pl.ds(0, LANES)]
            for c in range(1, EMBED_DIM // LANES):
                acc = acc + (rows_u[r, pl.ds(c * LANES, LANES)]
                             * rows_i[r, pl.ds(c * LANES, LANES)])
            scratch_flat[pl.ds(k * LANES, LANES)] = acc
        iota16 = iota * LANES
        res = plsc.load_gather(scratch_flat, [iota16])
        for j in range(1, LANES):
            res = res + plsc.load_gather(scratch_flat, [iota16 + j])
        out_v[pl.ds(pl.multiple_of(g * LANES, LANES), LANES)] = res
        return 0

    lax.fori_loop(0, GROUPS, group, 0)

    pltpu.sync_copy(out_v, out_hbm.at[pl.ds(wid * ROWS_PER_WORKER,
                                            ROWS_PER_WORKER)])


@jax.jit
def _bpr_sc(users2d, items2d, user_table, item_table):
    mesh = plsc.VectorSubcoreMesh(
        core_axis_name="c", subcore_axis_name="s",
        num_cores=NUM_CORES, num_subcores=NUM_SUBCORES)
    return pl.kernel(
        _bpr_body,
        out_type=jax.ShapeDtypeStruct((BATCH,), jnp.float32),
        mesh=mesh,
        compiler_params=pltpu.CompilerParams(
            needs_layout_passes=False, use_tc_tiling_on_sc=False),
        scratch_types=[
            pltpu.VMEM((NUM_CHUNKS, CHUNK), jnp.int32),
            pltpu.VMEM((NUM_CHUNKS, CHUNK), jnp.int32),
            pltpu.VMEM((ROWS_PER_WORKER, EMBED_DIM), jnp.float32),
            pltpu.VMEM((ROWS_PER_WORKER, EMBED_DIM), jnp.float32),
            pltpu.VMEM((ROWS_PER_WORKER,), jnp.float32),
            pltpu.VMEM((LANES * LANES,), jnp.float32),
            pltpu.SemaphoreType.DMA,
        ],
    )(users2d, items2d, user_table, item_table)


def kernel(users, items, user_table, item_table):
    users2d = users.astype(jnp.int32).reshape(NUM_WORKERS * NUM_CHUNKS, CHUNK)
    items2d = items.astype(jnp.int32).reshape(NUM_WORKERS * NUM_CHUNKS, CHUNK)
    return _bpr_sc(users2d, items2d, user_table, item_table)

# --- scband reference (transcript-rebuilt; emitter-appended) ---
"""Pipeline reference for scband-bpr-54322746360500 (READ-ONLY COPY).

The authoritative reference and input builder live on the scoring server;
editing this copy changes nothing except your own understanding.
"""

import jax, jax.numpy as jnp
import numpy as np

NUM_ITEMS = 1000000
NUM_USERS = 1000000
EMBED_DIM = 64
BATCH = 16384

def setup_inputs(seed: int = 0) -> dict:
    key = jax.random.key(seed)
    k1, k2, k3, k4 = jax.random.split(key, 4)
    users = jax.random.randint(k1, (BATCH,), 0, NUM_USERS, dtype=jnp.int64) if jax.config.jax_enable_x64 else jax.random.randint(k1, (BATCH,), 0, NUM_USERS, dtype=jnp.int32)
    items = jax.random.randint(k2, (BATCH,), 0, NUM_ITEMS, dtype=jnp.int32)
    # xavier_uniform for Embedding weight [num, dim]: bound = sqrt(6/(num+dim))
    bound_u = float(np.sqrt(6.0 / (NUM_USERS + EMBED_DIM)))
    bound_i = float(np.sqrt(6.0 / (NUM_ITEMS + EMBED_DIM)))
    user_table = jax.random.uniform(k3, (NUM_USERS, EMBED_DIM), dtype=jnp.float32, minval=-bound_u, maxval=bound_u)
    item_table = jax.random.uniform(k4, (NUM_ITEMS, EMBED_DIM), dtype=jnp.float32, minval=-bound_i, maxval=bound_i)
    return {"users": users, "items": items, "user_table": user_table, "item_table": item_table}

def reference(users, items, user_table, item_table):
    # embedding lookups (gather)
    batch_user_embeddings = jnp.take(user_table, users, axis=0)  # [B, D]
    batch_item_embeddings = jnp.take(item_table, items, axis=0)  # [B, D]
    # bmm([B,1,D] x [B,D,1]).squeeze() == rowwise dot product
    positive_predictions = jnp.sum(batch_user_embeddings * batch_item_embeddings, axis=-1)  # [B]
    return positive_predictions

if __name__ == "__main__":
    import jax
    _d = setup_inputs()
    print(jax.jit(kernel)(*tuple(_d.values())))

</pallas_src>

<mosaic_0001>
#map = affine_map<(d0, d1) -> (0, 0)>
#map1 = affine_map<(d0, d1) -> (0)>
module attributes {stable_mosaic.version = 14 : i64} {
  func.func @_bpr_body(%arg0: i32, %arg1: i32, %arg2: memref<128x128xi32, #tpu.memory_space<hbm>>, %arg3: memref<128x128xi32, #tpu.memory_space<hbm>>, %arg4: memref<1000000x64xf32, #tpu.memory_space<hbm>>, %arg5: memref<1000000x64xf32, #tpu.memory_space<hbm>>, %arg6: memref<16384xf32, #tpu.memory_space<hbm>>, %arg7: memref<4x128xi32, #tpu.memory_space<vmem>>, %arg8: memref<4x128xi32, #tpu.memory_space<vmem>>, %arg9: memref<512x64xf32, #tpu.memory_space<vmem>>, %arg10: memref<512x64xf32, #tpu.memory_space<vmem>>, %arg11: memref<512xf32, #tpu.memory_space<vmem>>, %arg12: memref<256xf32, #tpu.memory_space<vmem>>, %arg13: memref<!tpu.dma_semaphore, #tpu.memory_space<semaphore_mem>>) attributes {dimension_semantics = [#tpu.dimension_semantics<core_parallel>, #tpu.dimension_semantics<subcore_parallel>], iteration_bounds = array<i64: 2, 16>, scalar_prefetch = 0 : i64, scratch_operands = 7 : i64, tpu.core_type = #tpu.core_type<sc_vector_subcore>, window_params = [{transform_indices = #map}, {transform_indices = #map}, {transform_indices = #map}, {transform_indices = #map}, {transform_indices = #map1}]} {
    %mul3A = arith.constant 2 : i32
    %mul3A_0 = arith.muli %arg1, %mul3A : i32
    %add3A = arith.addi %mul3A_0, %arg0 : i32
    %mul3A_1 = arith.constant 4 : i32
    %mul3A_2 = arith.muli %add3A, %mul3A_1 : i32
    "tpu.region"() ({
      %run_scoped3A = tpu.sem_alloc : memref<!tpu.dma_semaphore, #tpu.memory_space<semaphore_mem>>
      %dma_start3A_169 = arith.constant 0 : i32
      %dma_start3A_170 = tpu.memref_slice %arg2[%mul3A_2, %dma_start3A_169] : memref<128x128xi32, #tpu.memory_space<hbm>> -> memref<4x128xi32, #tpu.memory_space<hbm>>
      %dma_start3A_171 = arith.constant 0 : i32
      %dma_start3A_172 = tpu.memref_slice %arg2[%mul3A_2, %dma_start3A_171] : memref<128x128xi32, #tpu.memory_space<hbm>> -> memref<4x128xi32, #tpu.memory_space<hbm>>
      tpu.enqueue_dma source(%dma_start3A_172 : memref<4x128xi32, #tpu.memory_space<hbm>>) target(%arg7 : memref<4x128xi32, #tpu.memory_space<vmem>>) target_semaphore(%run_scoped3A : memref<!tpu.dma_semaphore, #tpu.memory_space<semaphore_mem>>)
      %dma_wait3A_173 = arith.constant 0 : i32
      %dma_wait3A_174 = tpu.memref_slice %arg2[%mul3A_2, %dma_wait3A_173] : memref<128x128xi32, #tpu.memory_space<hbm>> -> memref<4x128xi32, #tpu.memory_space<hbm>>
      %dma_wait3A_175 = arith.constant 0 : i32
      %dma_wait3A_176 = tpu.memref_slice %arg2[%mul3A_2, %dma_wait3A_175] : memref<128x128xi32, #tpu.memory_space<hbm>> -> memref<4x128xi32, #tpu.memory_space<hbm>>
      tpu.wait_dma2 semaphore(%run_scoped3A : memref<!tpu.dma_semaphore, #tpu.memory_space<semaphore_mem>>) src(%dma_wait3A_176 : memref<4x128xi32, #tpu.memory_space<hbm>>) dst(%arg7 : memref<4x128xi32, #tpu.memory_space<vmem>>)
      tpu.yield
    }) : () -> ()
    "tpu.region"() ({
      %run_scoped3A = tpu.sem_alloc : memref<!tpu.dma_semaphore, #tpu.memory_space<semaphore_mem>>
      %dma_start3A_169 = arith.constant 0 : i32
      %dma_start3A_170 = tpu.memref_slice %arg3[%mul3A_2, %dma_start3A_169] : memref<128x128xi32, #tpu.memory_space<hbm>> -> memref<4x128xi32, #tpu.memory_space<hbm>>
      %dma_start3A_171 = arith.constant 0 : i32
      %dma_start3A_172 = tpu.memref_slice %arg3[%mul3A_2, %dma_start3A_171] : memref<128x128xi32, #tpu.memory_space<hbm>> -> memref<4x128xi32, #tpu.memory_space<hbm>>
      tpu.enqueue_dma source(%dma_start3A_172 : memref<4x128xi32, #tpu.memory_space<hbm>>) target(%arg8 : memref<4x128xi32, #tpu.memory_space<vmem>>) target_semaphore(%run_scoped3A : memref<!tpu.dma_semaphore, #tpu.memory_space<semaphore_mem>>)
      %dma_wait3A_173 = arith.constant 0 : i32
      %dma_wait3A_174 = tpu.memref_slice %arg3[%mul3A_2, %dma_wait3A_173] : memref<128x128xi32, #tpu.memory_space<hbm>> -> memref<4x128xi32, #tpu.memory_space<hbm>>
      %dma_wait3A_175 = arith.constant 0 : i32
      %dma_wait3A_176 = tpu.memref_slice %arg3[%mul3A_2, %dma_wait3A_175] : memref<128x128xi32, #tpu.memory_space<hbm>> -> memref<4x128xi32, #tpu.memory_space<hbm>>
      tpu.wait_dma2 semaphore(%run_scoped3A : memref<!tpu.dma_semaphore, #tpu.memory_space<semaphore_mem>>) src(%dma_wait3A_176 : memref<4x128xi32, #tpu.memory_space<hbm>>) dst(%arg8 : memref<4x128xi32, #tpu.memory_space<vmem>>)
      tpu.yield
    }) : () -> ()
    %dma_start3A = arith.constant 0 : i32
    %dma_start3A_3 = arith.constant 0 : i32
    %dma_start3A_4 = arith.constant 0 : i32
    %dma_start3A_5 = tpu.memref_slice %arg9[%dma_start3A_3, %dma_start3A_4] : memref<512x64xf32, #tpu.memory_space<vmem>> -> memref<128x64xf32, #tpu.memory_space<vmem>>
    %dma_start3A_6 = arith.constant 0 : i32
    %dma_start3A_7 = tpu.memref_slice %arg7[%dma_start3A, %dma_start3A_6] : memref<4x128xi32, #tpu.memory_space<vmem>> -> memref<1x128xi32, #tpu.memory_space<vmem>>
    %dma_start3A_8 = tpu.memref_squeeze %dma_start3A_7 : memref<1x128xi32, #tpu.memory_space<vmem>> -> memref<128xi32, #tpu.memory_space<vmem>>
    %dma_start3A_9 = arith.constant 0 : i32
    %dma_start3A_10 = arith.constant 0 : i32
    %dma_start3A_11 = tpu.memref_slice %arg4[%dma_start3A_9, %dma_start3A_10] : memref<1000000x64xf32, #tpu.memory_space<hbm>> -> memref<1000000x64xf32, #tpu.memory_space<hbm>>
    tpu.enqueue_indirect_dma source(%dma_start3A_11 : memref<1000000x64xf32, #tpu.memory_space<hbm>>) target(%dma_start3A_5 : memref<128x64xf32, #tpu.memory_space<vmem>>) offsets(%dma_start3A_8 : memref<128xi32, #tpu.memory_space<vmem>>) semaphore(%arg13 : memref<!tpu.dma_semaphore, #tpu.memory_space<semaphore_mem>>)
    %dma_start3A_12 = arith.constant 0 : i32
    %dma_start3A_13 = arith.constant 0 : i32
    %dma_start3A_14 = arith.constant 0 : i32
    %dma_start3A_15 = tpu.memref_slice %arg10[%dma_start3A_13, %dma_start3A_14] : memref<512x64xf32, #tpu.memory_space<vmem>> -> memref<128x64xf32, #tpu.memory_space<vmem>>
    %dma_start3A_16 = arith.constant 0 : i32
    %dma_start3A_17 = tpu.memref_slice %arg8[%dma_start3A_12, %dma_start3A_16] : memref<4x128xi32, #tpu.memory_space<vmem>> -> memref<1x128xi32, #tpu.memory_space<vmem>>
    %dma_start3A_18 = tpu.memref_squeeze %dma_start3A_17 : memref<1x128xi32, #tpu.memory_space<vmem>> -> memref<128xi32, #tpu.memory_space<vmem>>
    %dma_start3A_19 = arith.constant 0 : i32
    %dma_start3A_20 = arith.constant 0 : i32
    %dma_start3A_21 = tpu.memref_slice %arg5[%dma_start3A_19, %dma_start3A_20] : memref<1000000x64xf32, #tpu.memory_space<hbm>> -> memref<1000000x64xf32, #tpu.memory_space<hbm>>
    tpu.enqueue_indirect_dma source(%dma_start3A_21 : memref<1000000x64xf32, #tpu.memory_space<hbm>>) target(%dma_start3A_15 : memref<128x64xf32, #tpu.memory_space<vmem>>) offsets(%dma_start3A_18 : memref<128xi32, #tpu.memory_space<vmem>>) semaphore(%arg13 : memref<!tpu.dma_semaphore, #tpu.memory_space<semaphore_mem>>)
    %dma_start3A_22 = arith.constant 1 : i32
    %dma_start3A_23 = arith.constant 128 : i32
    %dma_start3A_24 = arith.constant 0 : i32
    %dma_start3A_25 = tpu.memref_slice %arg9[%dma_start3A_23, %dma_start3A_24] : memref<512x64xf32, #tpu.memory_space<vmem>> -> memref<128x64xf32, #tpu.memory_space<vmem>>
    %dma_start3A_26 = arith.constant 0 : i32
    %dma_start3A_27 = tpu.memref_slice %arg7[%dma_start3A_22, %dma_start3A_26] : memref<4x128xi32, #tpu.memory_space<vmem>> -> memref<1x128xi32, #tpu.memory_space<vmem>>
    %dma_start3A_28 = tpu.memref_squeeze %dma_start3A_27 : memref<1x128xi32, #tpu.memory_space<vmem>> -> memref<128xi32, #tpu.memory_space<vmem>>
    %dma_start3A_29 = arith.constant 0 : i32
    %dma_start3A_30 = arith.constant 0 : i32
    %dma_start3A_31 = tpu.memref_slice %arg4[%dma_start3A_29, %dma_start3A_30] : memref<1000000x64xf32, #tpu.memory_space<hbm>> -> memref<1000000x64xf32, #tpu.memory_space<hbm>>
    tpu.enqueue_indirect_dma source(%dma_start3A_31 : memref<1000000x64xf32, #tpu.memory_space<hbm>>) target(%dma_start3A_25 : memref<128x64xf32, #tpu.memory_space<vmem>>) offsets(%dma_start3A_28 : memref<128xi32, #tpu.memory_space<vmem>>) semaphore(%arg13 : memref<!tpu.dma_semaphore, #tpu.memory_space<semaphore_mem>>)
    %dma_start3A_32 = arith.constant 1 : i32
    %dma_start3A_33 = arith.constant 128 : i32
    %dma_start3A_34 = arith.constant 0 : i32
    %dma_start3A_35 = tpu.memref_slice %arg10[%dma_start3A_33, %dma_start3A_34] : memref<512x64xf32, #tpu.memory_space<vmem>> -> memref<128x64xf32, #tpu.memory_space<vmem>>
    %dma_start3A_36 = arith.constant 0 : i32
    %dma_start3A_37 = tpu.memref_slice %arg8[%dma_start3A_32, %dma_start3A_36] : memref<4x128xi32, #tpu.memory_space<vmem>> -> memref<1x128xi32, #tpu.memory_space<vmem>>
    %dma_start3A_38 = tpu.memref_squeeze %dma_start3A_37 : memref<1x128xi32, #tpu.memory_space<vmem>> -> memref<128xi32, #tpu.memory_space<vmem>>
    %dma_start3A_39 = arith.constant 0 : i32
    %dma_start3A_40 = arith.constant 0 : i32
    %dma_start3A_41 = tpu.memref_slice %arg5[%dma_start3A_39, %dma_start3A_40] : memref<1000000x64xf32, #tpu.memory_space<hbm>> -> memref<1000000x64xf32, #tpu.memory_space<hbm>>
    tpu.enqueue_indirect_dma source(%dma_start3A_41 : memref<1000000x64xf32, #tpu.memory_space<hbm>>) target(%dma_start3A_35 : memref<128x64xf32, #tpu.memory_space<vmem>>) offsets(%dma_start3A_38 : memref<128xi32, #tpu.memory_space<vmem>>) semaphore(%arg13 : memref<!tpu.dma_semaphore, #tpu.memory_space<semaphore_mem>>)
    %dma_start3A_42 = arith.constant 2 : i32
    %dma_start3A_43 = arith.constant 256 : i32
    %dma_start3A_44 = arith.constant 0 : i32
    %dma_start3A_45 = tpu.memref_slice %arg9[%dma_start3A_43, %dma_start3A_44] : memref<512x64xf32, #tpu.memory_space<vmem>> -> memref<128x64xf32, #tpu.memory_space<vmem>>
    %dma_start3A_46 = arith.constant 0 : i32
    %dma_start3A_47 = tpu.memref_slice %arg7[%dma_start3A_42, %dma_start3A_46] : memref<4x128xi32, #tpu.memory_space<vmem>> -> memref<1x128xi32, #tpu.memory_space<vmem>>
    %dma_start3A_48 = tpu.memref_squeeze %dma_start3A_47 : memref<1x128xi32, #tpu.memory_space<vmem>> -> memref<128xi32, #tpu.memory_space<vmem>>
    %dma_start3A_49 = arith.constant 0 : i32
    %dma_start3A_50 = arith.constant 0 : i32
    %dma_start3A_51 = tpu.memref_slice %arg4[%dma_start3A_49, %dma_start3A_50] : memref<1000000x64xf32, #tpu.memory_space<hbm>> -> memref<1000000x64xf32, #tpu.memory_space<hbm>>
    tpu.enqueue_indirect_dma source(%dma_start3A_51 : memref<1000000x64xf32, #tpu.memory_space<hbm>>) target(%dma_start3A_45 : memref<128x64xf32, #tpu.memory_space<vmem>>) offsets(%dma_start3A_48 : memref<128xi32, #tpu.memory_space<vmem>>) semaphore(%arg13 : memref<!tpu.dma_semaphore, #tpu.memory_space<semaphore_mem>>)
    %dma_start3A_52 = arith.constant 2 : i32
    %dma_start3A_53 = arith.constant 256 : i32
    %dma_start3A_54 = arith.constant 0 : i32
    %dma_start3A_55 = tpu.memref_slice %arg10[%dma_start3A_53, %dma_start3A_54] : memref<512x64xf32, #tpu.memory_space<vmem>> -> memref<128x64xf32, #tpu.memory_space<vmem>>
    %dma_start3A_56 = arith.constant 0 : i32
    %dma_start3A_57 = tpu.memref_slice %arg8[%dma_start3A_52, %dma_start3A_56] : memref<4x128xi32, #tpu.memory_space<vmem>> -> memref<1x128xi32, #tpu.memory_space<vmem>>
    %dma_start3A_58 = tpu.memref_squeeze %dma_start3A_57 : memref<1x128xi32, #tpu.memory_space<vmem>> -> memref<128xi32, #tpu.memory_space<vmem>>
    %dma_start3A_59 = arith.constant 0 : i32
    %dma_start3A_60 = arith.constant 0 : i32
    %dma_start3A_61 = tpu.memref_slice %arg5[%dma_start3A_59, %dma_start3A_60] : memref<1000000x64xf32, #tpu.memory_space<hbm>> -> memref<1000000x64xf32, #tpu.memory_space<hbm>>
    tpu.enqueue_indirect_dma source(%dma_start3A_61 : memref<1000000x64xf32, #tpu.memory_space<hbm>>) target(%dma_start3A_55 : memref<128x64xf32, #tpu.memory_space<vmem>>) offsets(%dma_start3A_58 : memref<128xi32, #tpu.memory_space<vmem>>) semaphore(%arg13 : memref<!tpu.dma_semaphore, #tpu.memory_space<semaphore_mem>>)
    %dma_start3A_62 = arith.constant 3 : i32
    %dma_start3A_63 = arith.constant 384 : i32
    %dma_start3A_64 = arith.constant 0 : i32
    %dma_start3A_65 = tpu.memref_slice %arg9[%dma_start3A_63, %dma_start3A_64] : memref<512x64xf32, #tpu.memory_space<vmem>> -> memref<128x64xf32, #tpu.memory_space<vmem>>
    %dma_start3A_66 = arith.constant 0 : i32
    %dma_start3A_67 = tpu.memref_slice %arg7[%dma_start3A_62, %dma_start3A_66] : memref<4x128xi32, #tpu.memory_space<vmem>> -> memref<1x128xi32, #tpu.memory_space<vmem>>
    %dma_start3A_68 = tpu.memref_squeeze %dma_start3A_67 : memref<1x128xi32, #tpu.memory_space<vmem>> -> memref<128xi32, #tpu.memory_space<vmem>>
    %dma_start3A_69 = arith.constant 0 : i32
    %dma_start3A_70 = arith.constant 0 : i32
    %dma_start3A_71 = tpu.memref_slice %arg4[%dma_start3A_69, %dma_start3A_70] : memref<1000000x64xf32, #tpu.memory_space<hbm>> -> memref<1000000x64xf32, #tpu.memory_space<hbm>>
    tpu.enqueue_indirect_dma source(%dma_start3A_71 : memref<1000000x64xf32, #tpu.memory_space<hbm>>) target(%dma_start3A_65 : memref<128x64xf32, #tpu.memory_space<vmem>>) offsets(%dma_start3A_68 : memref<128xi32, #tpu.memory_space<vmem>>) semaphore(%arg13 : memref<!tpu.dma_semaphore, #tpu.memory_space<semaphore_mem>>)
    %dma_start3A_72 = arith.constant 3 : i32
    %dma_start3A_73 = arith.constant 384 : i32
    %dma_start3A_74 = arith.constant 0 : i32
    %dma_start3A_75 = tpu.memref_slice %arg10[%dma_start3A_73, %dma_start3A_74] : memref<512x64xf32, #tpu.memory_space<vmem>> -> memref<128x64xf32, #tpu.memory_space<vmem>>
    %dma_start3A_76 = arith.constant 0 : i32
    %dma_start3A_77 = tpu.memref_slice %arg8[%dma_start3A_72, %dma_start3A_76] : memref<4x128xi32, #tpu.memory_space<vmem>> -> memref<1x128xi32, #tpu.memory_space<vmem>>
    %dma_start3A_78 = tpu.memref_squeeze %dma_start3A_77 : memref<1x128xi32, #tpu.memory_space<vmem>> -> memref<128xi32, #tpu.memory_space<vmem>>
    %dma_start3A_79 = arith.constant 0 : i32
    %dma_start3A_80 = arith.constant 0 : i32
    %dma_start3A_81 = tpu.memref_slice %arg5[%dma_start3A_79, %dma_start3A_80] : memref<1000000x64xf32, #tpu.memory_space<hbm>> -> memref<1000000x64xf32, #tpu.memory_space<hbm>>
    tpu.enqueue_indirect_dma source(%dma_start3A_81 : memref<1000000x64xf32, #tpu.memory_space<hbm>>) target(%dma_start3A_75 : memref<128x64xf32, #tpu.memory_space<vmem>>) offsets(%dma_start3A_78 : memref<128xi32, #tpu.memory_space<vmem>>) semaphore(%arg13 : memref<!tpu.dma_semaphore, #tpu.memory_space<semaphore_mem>>)
    %dma_wait3A = arith.constant 0 : i32
    %dma_wait3A_82 = arith.constant 0 : i32
    %dma_wait3A_83 = arith.constant 0 : i32
    %dma_wait3A_84 = tpu.memref_slice %arg9[%dma_wait3A_82, %dma_wait3A_83] : memref<512x64xf32, #tpu.memory_space<vmem>> -> memref<128x64xf32, #tpu.memory_space<vmem>>
    %dma_wait3A_85 = arith.constant 0 : i32
    %dma_wait3A_86 = tpu.memref_slice %arg7[%dma_wait3A, %dma_wait3A_85] : memref<4x128xi32, #tpu.memory_space<vmem>> -> memref<1x128xi32, #tpu.memory_space<vmem>>
    %dma_wait3A_87 = tpu.memref_squeeze %dma_wait3A_86 : memref<1x128xi32, #tpu.memory_space<vmem>> -> memref<128xi32, #tpu.memory_space<vmem>>
    %dma_wait3A_88 = arith.constant 0 : i32
    %dma_wait3A_89 = arith.constant 0 : i32
    %dma_wait3A_90 = tpu.memref_slice %arg4[%dma_wait3A_88, %dma_wait3A_89] : memref<1000000x64xf32, #tpu.memory_space<hbm>> -> memref<1000000x64xf32, #tpu.memory_space<hbm>>
    tpu.wait_indirect_dma semaphore(%arg13 : memref<!tpu.dma_semaphore, #tpu.memory_space<semaphore_mem>>) src(%dma_wait3A_90 : memref<1000000x64xf32, #tpu.memory_space<hbm>>) dst(%dma_wait3A_84 : memref<128x64xf32, #tpu.memory_space<vmem>>)
    %dma_wait3A_91 = arith.constant 0 : i32
    %dma_wait3A_92 = arith.constant 0 : i32
    %dma_wait3A_93 = arith.constant 0 : i32
    %dma_wait3A_94 = tpu.memref_slice %arg10[%dma_wait3A_92, %dma_wait3A_93] : memref<512x64xf32, #tpu.memory_space<vmem>> -> memref<128x64xf32, #tpu.memory_space<vmem>>
    %dma_wait3A_95 = arith.constant 0 : i32
    %dma_wait3A_96 = tpu.memref_slice %arg8[%dma_wait3A_91, %dma_wait3A_95] : memref<4x128xi32, #tpu.memory_space<vmem>> -> memref<1x128xi32, #tpu.memory_space<vmem>>
    %dma_wait3A_97 = tpu.memref_squeeze %dma_wait3A_96 : memref<1x128xi32, #tpu.memory_space<vmem>> -> memref<128xi32, #tpu.memory_space<vmem>>
    %dma_wait3A_98 = arith.constant 0 : i32
    %dma_wait3A_99 = arith.constant 0 : i32
    %dma_wait3A_100 = tpu.memref_slice %arg5[%dma_wait3A_98, %dma_wait3A_99] : memref<1000000x64xf32, #tpu.memory_space<hbm>> -> memref<1000000x64xf32, #tpu.memory_space<hbm>>
    tpu.wait_indirect_dma semaphore(%arg13 : memref<!tpu.dma_semaphore, #tpu.memory_space<semaphore_mem>>) src(%dma_wait3A_100 : memref<1000000x64xf32, #tpu.memory_space<hbm>>) dst(%dma_wait3A_94 : memref<128x64xf32, #tpu.memory_space<vmem>>)
    %dma_wait3A_101 = arith.constant 1 : i32
    %dma_wait3A_102 = arith.constant 128 : i32
    %dma_wait3A_103 = arith.constant 0 : i32
    %dma_wait3A_104 = tpu.memref_slice %arg9[%dma_wait3A_102, %dma_wait3A_103] : memref<512x64xf32, #tpu.memory_space<vmem>> -> memref<128x64xf32, #tpu.memory_space<vmem>>
    %dma_wait3A_105 = arith.constant 0 : i32
    %dma_wait3A_106 = tpu.memref_slice %arg7[%dma_wait3A_101, %dma_wait3A_105] : memref<4x128xi32, #tpu.memory_space<vmem>> -> memref<1x128xi32, #tpu.memory_space<vmem>>
    %dma_wait3A_107 = tpu.memref_squeeze %dma_wait3A_106 : memref<1x128xi32, #tpu.memory_space<vmem>> -> memref<128xi32, #tpu.memory_space<vmem>>
    %dma_wait3A_108 = arith.constant 0 : i32
    %dma_wait3A_109 = arith.constant 0 : i32
    %dma_wait3A_110 = tpu.memref_slice %arg4[%dma_wait3A_108, %dma_wait3A_109] : memref<1000000x64xf32, #tpu.memory_space<hbm>> -> memref<1000000x64xf32, #tpu.memory_space<hbm>>
    tpu.wait_indirect_dma semaphore(%arg13 : memref<!tpu.dma_semaphore, #tpu.memory_space<semaphore_mem>>) src(%dma_wait3A_110 : memref<1000000x64xf32, #tpu.memory_space<hbm>>) dst(%dma_wait3A_104 : memref<128x64xf32, #tpu.memory_space<vmem>>)
    %dma_wait3A_111 = arith.constant 1 : i32
    %dma_wait3A_112 = arith.constant 128 : i32
    %dma_wait3A_113 = arith.constant 0 : i32
    %dma_wait3A_114 = tpu.memref_slice %arg10[%dma_wait3A_112, %dma_wait3A_113] : memref<512x64xf32, #tpu.memory_space<vmem>> -> memref<128x64xf32, #tpu.memory_space<vmem>>
    %dma_wait3A_115 = arith.constant 0 : i32
    %dma_wait3A_116 = tpu.memref_slice %arg8[%dma_wait3A_111, %dma_wait3A_115] : memref<4x128xi32, #tpu.memory_space<vmem>> -> memref<1x128xi32, #tpu.memory_space<vmem>>
    %dma_wait3A_117 = tpu.memref_squeeze %dma_wait3A_116 : memref<1x128xi32, #tpu.memory_space<vmem>> -> memref<128xi32, #tpu.memory_space<vmem>>
    %dma_wait3A_118 = arith.constant 0 : i32
    %dma_wait3A_119 = arith.constant 0 : i32
    %dma_wait3A_120 = tpu.memref_slice %arg5[%dma_wait3A_118, %dma_wait3A_119] : memref<1000000x64xf32, #tpu.memory_space<hbm>> -> memref<1000000x64xf32, #tpu.memory_space<hbm>>
    tpu.wait_indirect_dma semaphore(%arg13 : memref<!tpu.dma_semaphore, #tpu.memory_space<semaphore_mem>>) src(%dma_wait3A_120 : memref<1000000x64xf32, #tpu.memory_space<hbm>>) dst(%dma_wait3A_114 : memref<128x64xf32, #tpu.memory_space<vmem>>)
    %dma_wait3A_121 = arith.constant 2 : i32
    %dma_wait3A_122 = arith.constant 256 : i32
    %dma_wait3A_123 = arith.constant 0 : i32
    %dma_wait3A_124 = tpu.memref_slice %arg9[%dma_wait3A_122, %dma_wait3A_123] : memref<512x64xf32, #tpu.memory_space<vmem>> -> memref<128x64xf32, #tpu.memory_space<vmem>>
    %dma_wait3A_125 = arith.constant 0 : i32
    %dma_wait3A_126 = tpu.memref_slice %arg7[%dma_wait3A_121, %dma_wait3A_125] : memref<4x128xi32, #tpu.memory_space<vmem>> -> memref<1x128xi32, #tpu.memory_space<vmem>>
    %dma_wait3A_127 = tpu.memref_squeeze %dma_wait3A_126 : memref<1x128xi32, #tpu.memory_space<vmem>> -> memref<128xi32, #tpu.memory_space<vmem>>
    %dma_wait3A_128 = arith.constant 0 : i32
    %dma_wait3A_129 = arith.constant 0 : i32
    %dma_wait3A_130 = tpu.memref_slice %arg4[%dma_wait3A_128, %dma_wait3A_129] : memref<1000000x64xf32, #tpu.memory_space<hbm>> -> memref<1000000x64xf32, #tpu.memory_space<hbm>>
    tpu.wait_indirect_dma semaphore(%arg13 : memref<!tpu.dma_semaphore, #tpu.memory_space<semaphore_mem>>) src(%dma_wait3A_130 : memref<1000000x64xf32, #tpu.memory_space<hbm>>) dst(%dma_wait3A_124 : memref<128x64xf32, #tpu.memory_space<vmem>>)
    %dma_wait3A_131 = arith.constant 2 : i32
    %dma_wait3A_132 = arith.constant 256 : i32
    %dma_wait3A_133 = arith.constant 0 : i32
    %dma_wait3A_134 = tpu.memref_slice %arg10[%dma_wait3A_132, %dma_wait3A_133] : memref<512x64xf32, #tpu.memory_space<vmem>> -> memref<128x64xf32, #tpu.memory_space<vmem>>
    %dma_wait3A_135 = arith.constant 0 : i32
    %dma_wait3A_136 = tpu.memref_slice %arg8[%dma_wait3A_131, %dma_wait3A_135] : memref<4x128xi32, #tpu.memory_space<vmem>> -> memref<1x128xi32, #tpu.memory_space<vmem>>
    %dma_wait3A_137 = tpu.memref_squeeze %dma_wait3A_136 : memref<1x128xi32, #tpu.memory_space<vmem>> -> memref<128xi32, #tpu.memory_space<vmem>>
    %dma_wait3A_138 = arith.constant 0 : i32
    %dma_wait3A_139 = arith.constant 0 : i32
    %dma_wait3A_140 = tpu.memref_slice %arg5[%dma_wait3A_138, %dma_wait3A_139] : memref<1000000x64xf32, #tpu.memory_space<hbm>> -> memref<1000000x64xf32, #tpu.memory_space<hbm>>
    tpu.wait_indirect_dma semaphore(%arg13 : memref<!tpu.dma_semaphore, #tpu.memory_space<semaphore_mem>>) src(%dma_wait3A_140 : memref<1000000x64xf32, #tpu.memory_space<hbm>>) dst(%dma_wait3A_134 : memref<128x64xf32, #tpu.memory_space<vmem>>)
    %dma_wait3A_141 = arith.constant 3 : i32
    %dma_wait3A_142 = arith.constant 384 : i32
    %dma_wait3A_143 = arith.constant 0 : i32
    %dma_wait3A_144 = tpu.memref_slice %arg9[%dma_wait3A_142, %dma_wait3A_143] : memref<512x64xf32, #tpu.memory_space<vmem>> -> memref<128x64xf32, #tpu.memory_space<vmem>>
    %dma_wait3A_145 = arith.constant 0 : i32
    %dma_wait3A_146 = tpu.memref_slice %arg7[%dma_wait3A_141, %dma_wait3A_145] : memref<4x128xi32, #tpu.memory_space<vmem>> -> memref<1x128xi32, #tpu.memory_space<vmem>>
    %dma_wait3A_147 = tpu.memref_squeeze %dma_wait3A_146 : memref<1x128xi32, #tpu.memory_space<vmem>> -> memref<128xi32, #tpu.memory_space<vmem>>
    %dma_wait3A_148 = arith.constant 0 : i32
    %dma_wait3A_149 = arith.constant 0 : i32
    %dma_wait3A_150 = tpu.memref_slice %arg4[%dma_wait3A_148, %dma_wait3A_149] : memref<1000000x64xf32, #tpu.memory_space<hbm>> -> memref<1000000x64xf32, #tpu.memory_space<hbm>>
    tpu.wait_indirect_dma semaphore(%arg13 : memref<!tpu.dma_semaphore, #tpu.memory_space<semaphore_mem>>) src(%dma_wait3A_150 : memref<1000000x64xf32, #tpu.memory_space<hbm>>) dst(%dma_wait3A_144 : memref<128x64xf32, #tpu.memory_space<vmem>>)
    %dma_wait3A_151 = arith.constant 3 : i32
    %dma_wait3A_152 = arith.constant 384 : i32
    %dma_wait3A_153 = arith.constant 0 : i32
    %dma_wait3A_154 = tpu.memref_slice %arg10[%dma_wait3A_152, %dma_wait3A_153] : memref<512x64xf32, #tpu.memory_space<vmem>> -> memref<128x64xf32, #tpu.memory_space<vmem>>
    %dma_wait3A_155 = arith.constant 0 : i32
    %dma_wait3A_156 = tpu.memref_slice %arg8[%dma_wait3A_151, %dma_wait3A_155] : memref<4x128xi32, #tpu.memory_space<vmem>> -> memref<1x128xi32, #tpu.memory_space<vmem>>
    %dma_wait3A_157 = tpu.memref_squeeze %dma_wait3A_156 : memref<1x128xi32, #tpu.memory_space<vmem>> -> memref<128xi32, #tpu.memory_space<vmem>>
    %dma_wait3A_158 = arith.constant 0 : i32
    %dma_wait3A_159 = arith.constant 0 : i32
    %dma_wait3A_160 = tpu.memref_slice %arg5[%dma_wait3A_158, %dma_wait3A_159] : memref<1000000x64xf32, #tpu.memory_space<hbm>> -> memref<1000000x64xf32, #tpu.memory_space<hbm>>
    tpu.wait_indirect_dma semaphore(%arg13 : memref<!tpu.dma_semaphore, #tpu.memory_space<semaphore_mem>>) src(%dma_wait3A_160 : memref<1000000x64xf32, #tpu.memory_space<hbm>>) dst(%dma_wait3A_154 : memref<128x64xf32, #tpu.memory_space<vmem>>)
    %iota3A = tpu.iota {dimensions = array<i32: 0>} : vector<16xi32>
    %scan3A = arith.constant 0 : i32
    %scan3A_161 = arith.constant 0 : i32
    %scan3A_162 = arith.constant 32 : i32
    %scan3A_163 = arith.addi %scan3A_161, %scan3A_162 : i32
    %scan3A_164 = arith.constant 1 : i32
    %scan3A_165 = scf.for %scan3A_169 = %scan3A_161 to %scan3A_163 step %scan3A_164 iter_args(%scan3A_170 = %scan3A) -> (i32)  : i32 {
      %mul3A_171 = arith.constant 16 : i32
      %mul3A_172 = arith.muli %scan3A_169, %mul3A_171 : i32
      %add3A_173 = arith.constant 0 : i32
      %add3A_174 = arith.addi %mul3A_172, %add3A_173 : i32
      %get3A = arith.index_cast %add3A_174 : i32 to index
      %get3A_175 = arith.constant 0 : index
      %get3A_176 = tpu.vector_load %arg9[%get3A, %get3A_175] {strides = array<i32>} : memref<512x64xf32, #tpu.memory_space<vmem>>, vector<16xf32>,
      %get3A_177 = arith.index_cast %add3A_174 : i32 to index
      %get3A_178 = arith.constant 0 : index
      %get3A_179 = tpu.vector_load %arg10[%get3A_177, %get3A_178] {strides = array<i32>} : memref<512x64xf32, #tpu.memory_space<vmem>>, vector<16xf32>,
      %mul3A_180 = arith.mulf %get3A_176, %get3A_179 : vector<16xf32>
      %get3A_181 = arith.index_cast %add3A_174 : i32 to index
      %get3A_182 = arith.constant 16 : index
      %get3A_183 = tpu.vector_load %arg9[%get3A_181, %get3A_182] {strides = array<i32>} : memref<512x64xf32, #tpu.memory_space<vmem>>, vector<16xf32>,
      %get3A_184 = arith.index_cast %add3A_174 : i32 to index
      %get3A_185 = arith.constant 16 : index
      %get3A_186 = tpu.vector_load %arg10[%get3A_184, %get3A_185] {strides = array<i32>} : memref<512x64xf32, #tpu.memory_space<vmem>>, vector<16xf32>,
      %mul3A_187 = arith.mulf %get3A_183, %get3A_186 : vector<16xf32>
      %add3A_188 = arith.addf %mul3A_180, %mul3A_187 : vector<16xf32>
      %get3A_189 = arith.index_cast %add3A_174 : i32 to index
      %get3A_190 = arith.constant 32 : index
      %get3A_191 = tpu.vector_load %arg9[%get3A_189, %get3A_190] {strides = array<i32>} : memref<512x64xf32, #tpu.memory_space<vmem>>, vector<16xf32>,
      %get3A_192 = arith.index_cast %add3A_174 : i32 to index
      %get3A_193 = arith.constant 32 : index
      %get3A_194 = tpu.vector_load %arg10[%get3A_192, %get3A_193] {strides = array<i32>} : memref<512x64xf32, #tpu.memory_space<vmem>>, vector<16xf32>,
      %mul3A_195 = arith.mulf %get3A_191, %get3A_194 : vector<16xf32>
      %add3A_196 = arith.addf %add3A_188, %mul3A_195 : vector<16xf32>
      %get3A_197 = arith.index_cast %add3A_174 : i32 to index
      %get3A_198 = arith.constant 48 : index
      %get3A_199 = tpu.vector_load %arg9[%get3A_197, %get3A_198] {strides = array<i32>} : memref<512x64xf32, #tpu.memory_space<vmem>>, vector<16xf32>,
      %get3A_200 = arith.index_cast %add3A_174 : i32 to index
      %get3A_201 = arith.constant 48 : index
      %get3A_202 = tpu.vector_load %arg10[%get3A_200, %get3A_201] {strides = array<i32>} : memref<512x64xf32, #tpu.memory_space<vmem>>, vector<16xf32>,
      %mul3A_203 = arith.mulf %get3A_199, %get3A_202 : vector<16xf32>
      %add3A_204 = arith.addf %add3A_196, %mul3A_203 : vector<16xf32>
      %swap3A = arith.constant 0 : index
      %swap3A_205 = tpu.vector_load %arg12[%swap3A] {strides = array<i32>} : memref<256xf32, #tpu.memory_space<vmem>>, vector<16xf32>,
      tpu.vector_store %arg12[%swap3A], %add3A_204 {strides = array<i32>} : memref<256xf32, #tpu.memory_space<vmem>>, vector<16xf32>,
      %mul3A_206 = arith.constant 16 : i32
      %mul3A_207 = arith.muli %scan3A_169, %mul3A_206 : i32
      %add3A_208 = arith.constant 1 : i32
      %add3A_209 = arith.addi %mul3A_207, %add3A_208 : i32
      %get3A_210 = arith.index_cast %add3A_209 : i32 to index
      %get3A_211 = arith.constant 0 : index
      %get3A_212 = tpu.vector_load %arg9[%get3A_210, %get3A_211] {strides = array<i32>} : memref<512x64xf32, #tpu.memory_space<vmem>>, vector<16xf32>,
      %get3A_213 = arith.index_cast %add3A_209 : i32 to index
      %get3A_214 = arith.constant 0 : index
      %get3A_215 = tpu.vector_load %arg10[%get3A_213, %get3A_214] {strides = array<i32>} : memref<512x64xf32, #tpu.memory_space<vmem>>, vector<16xf32>,
      %mul3A_216 = arith.mulf %get3A_212, %get3A_215 : vector<16xf32>
      %get3A_217 = arith.index_cast %add3A_209 : i32 to index
      %get3A_218 = arith.constant 16 : index
      %get3A_219 = tpu.vector_load %arg9[%get3A_217, %get3A_218] {strides = array<i32>} : memref<512x64xf32, #tpu.memory_space<vmem>>, vector<16xf32>,
      %get3A_220 = arith.index_cast %add3A_209 : i32 to index
      %get3A_221 = arith.constant 16 : index
      %get3A_222 = tpu.vector_load %arg10[%get3A_220, %get3A_221] {strides = array<i32>} : memref<512x64xf32, #tpu.memory_space<vmem>>, vector<16xf32>,
      %mul3A_223 = arith.mulf %get3A_219, %get3A_222 : vector<16xf32>
      %add3A_224 = arith.addf %mul3A_216, %mul3A_223 : vector<16xf32>
      %get3A_225 = arith.index_cast %add3A_209 : i32 to index
      %get3A_226 = arith.constant 32 : index
      %get3A_227 = tpu.vector_load %arg9[%get3A_225, %get3A_226] {strides = array<i32>} : memref<512x64xf32, #tpu.memory_space<vmem>>, vector<16xf32>,
      %get3A_228 = arith.index_cast %add3A_209 : i32 to index
      %get3A_229 = arith.constant 32 : index
      %get3A_230 = tpu.vector_load %arg10[%get3A_228, %get3A_229] {strides = array<i32>} : memref<512x64xf32, #tpu.memory_space<vmem>>, vector<16xf32>,
      %mul3A_231 = arith.mulf %get3A_227, %get3A_230 : vector<16xf32>
      %add3A_232 = arith.addf %add3A_224, %mul3A_231 : vector<16xf32>
      %get3A_233 = arith.index_cast %add3A_209 : i32 to index
      %get3A_234 = arith.constant 48 : index
      %get3A_235 = tpu.vector_load %arg9[%get3A_233, %get3A_234] {strides = array<i32>} : memref<512x64xf32, #tpu.memory_space<vmem>>, vector<16xf32>,
      %get3A_236 = arith.index_cast %add3A_209 : i32 to index
      %get3A_237 = arith.constant 48 : index
      %get3A_238 = tpu.vector_load %arg10[%get3A_236, %get3A_237] {strides = array<i32>} : memref<512x64xf32, #tpu.memory_space<vmem>>, vector<16xf32>,
      %mul3A_239 = arith.mulf %get3A_235, %get3A_238 : vector<16xf32>
      %add3A_240 = arith.addf %add3A_232, %mul3A_239 : vector<16xf32>
      %swap3A_241 = arith.constant 16 : index
      %swap3A_242 = tpu.vector_load %arg12[%swap3A_241] {strides = array<i32>} : memref<256xf32, #tpu.memory_space<vmem>>, vector<16xf32>,
      tpu.vector_store %arg12[%swap3A_241], %add3A_240 {strides = array<i32>} : memref<256xf32, #tpu.memory_space<vmem>>, vector<16xf32>,
      %mul3A_243 = arith.constant 16 : i32
      %mul3A_244 = arith.muli %scan3A_169, %mul3A_243 : i32
      %add3A_245 = arith.constant 2 : i32
      %add3A_246 = arith.addi %mul3A_244, %add3A_245 : i32
      %get3A_247 = arith.index_cast %add3A_246 : i32 to index
      %get3A_248 = arith.constant 0 : index
      %get3A_249 = tpu.vector_load %arg9[%get3A_247, %get3A_248] {strides = array<i32>} : memref<512x64xf32, #tpu.memory_space<vmem>>, vector<16xf32>,
      %get3A_250 = arith.index_cast %add3A_246 : i32 to index
      %get3A_251 = arith.constant 0 : index
      %get3A_252 = tpu.vector_load %arg10[%get3A_250, %get3A_251] {strides = array<i32>} : memref<512x64xf32, #tpu.memory_space<vmem>>, vector<16xf32>,
      %mul3A_253 = arith.mulf %get3A_249, %get3A_252 : vector<16xf32>
      %get3A_254 = arith.index_cast %add3A_246 : i32 to index
      %get3A_255 = arith.constant 16 : index
      %get3A_256 = tpu.vector_load %arg9[%get3A_254, %get3A_255] {strides = array<i32>} : memref<512x64xf32, #tpu.memory_space<vmem>>, vector<16xf32>,
      %get3A_257 = arith.index_cast %add3A_246 : i32 to index
      %get3A_258 = arith.constant 16 : index
      %get3A_259 = tpu.vector_load %arg10[%get3A_257, %get3A_258] {strides = array<i32>} : memref<512x64xf32, #tpu.memory_space<vmem>>, vector<16xf32>,
      %mul3A_260 = arith.mulf %get3A_256, %get3A_259 : vector<16xf32>
      %add3A_261 = arith.addf %mul3A_253, %mul3A_260 : vector<16xf32>
      %get3A_262 = arith.index_cast %add3A_246 : i32 to index
      %get3A_263 = arith.constant 32 : index
      %get3A_264 = tpu.vector_load %arg9[%get3A_262, %get3A_263] {strides = array<i32>} : memref<512x64xf32, #tpu.memory_space<vmem>>, vector<16xf32>,
      %get3A_265 = arith.index_cast %add3A_246 : i32 to index
      %get3A_266 = arith.constant 32 : index
      %get3A_267 = tpu.vector_load %arg10[%get3A_265, %get3A_266] {strides = array<i32>} : memref<512x64xf32, #tpu.memory_space<vmem>>, vector<16xf32>,
      %mul3A_268 = arith.mulf %get3A_264, %get3A_267 : vector<16xf32>
      %add3A_269 = arith.addf %add3A_261, %mul3A_268 : vector<16xf32>
      %get3A_270 = arith.index_cast %add3A_246 : i32 to index
      %get3A_271 = arith.constant 48 : index
      %get3A_272 = tpu.vector_load %arg9[%get3A_270, %get3A_271] {strides = array<i32>} : memref<512x64xf32, #tpu.memory_space<vmem>>, vector<16xf32>,
      %get3A_273 = arith.index_cast %add3A_246 : i32 to index
      %get3A_274 = arith.constant 48 : index
      %get3A_275 = tpu.vector_load %arg10[%get3A_273, %get3A_274] {strides = array<i32>} : memref<512x64xf32, #tpu.memory_space<vmem>>, vector<16xf32>,
      %mul3A_276 = arith.mulf %get3A_272, %get3A_275 : vector<16xf32>
      %add3A_277 = arith.addf %add3A_269, %mul3A_276 : vector<16xf32>
      %swap3A_278 = arith.constant 32 : index
      %swap3A_279 = tpu.vector_load %arg12[%swap3A_278] {strides = array<i32>} : memref<256xf32, #tpu.memory_space<vmem>>, vector<16xf32>,
      tpu.vector_store %arg12[%swap3A_278], %add3A_277 {strides = array<i32>} : memref<256xf32, #tpu.memory_space<vmem>>, vector<16xf32>,
      %mul3A_280 = arith.constant 16 : i32
      %mul3A_281 = arith.muli %scan3A_169, %mul3A_280 : i32
      %add3A_282 = arith.constant 3 : i32
      %add3A_283 = arith.addi %mul3A_281, %add3A_282 : i32
      %get3A_284 = arith.index_cast %add3A_283 : i32 to index
      %get3A_285 = arith.constant 0 : index
      %get3A_286 = tpu.vector_load %arg9[%get3A_284, %get3A_285] {strides = array<i32>} : memref<512x64xf32, #tpu.memory_space<vmem>>, vector<16xf32>,
      %get3A_287 = arith.index_cast %add3A_283 : i32 to index
      %get3A_288 = arith.constant 0 : index
      %get3A_289 = tpu.vector_load %arg10[%get3A_287, %get3A_288] {strides = array<i32>} : memref<512x64xf32, #tpu.memory_space<vmem>>, vector<16xf32>,
      %mul3A_290 = arith.mulf %get3A_286, %get3A_289 : vector<16xf32>
      %get3A_291 = arith.index_cast %add3A_283 : i32 to index
      %get3A_292 = arith.constant 16 : index
      %get3A_293 = tpu.vector_load %arg9[%get3A_291, %get3A_292] {strides = array<i32>} : memref<512x64xf32, #tpu.memory_space<vmem>>, vector<16xf32>,
      %get3A_294 = arith.index_cast %add3A_283 : i32 to index
      %get3A_295 = arith.constant 16 : index
      %get3A_296 = tpu.vector_load %arg10[%get3A_294, %get3A_295] {strides = array<i32>} : memref<512x64xf32, #tpu.memory_space<vmem>>, vector<16xf32>,
      %mul3A_297 = arith.mulf %get3A_293, %get3A_296 : vector<16xf32>
      %add3A_298 = arith.addf %mul3A_290, %mul3A_297 : vector<16xf32>
      %get3A_299 = arith.index_cast %add3A_283 : i32 to index
      %get3A_300 = arith.constant 32 : index
      %get3A_301 = tpu.vector_load %arg9[%get3A_299, %get3A_300] {strides = array<i32>} : memref<512x64xf32, #tpu.memory_space<vmem>>, vector<16xf32>,
      %get3A_302 = arith.index_cast %add3A_283 : i32 to index
      %get3A_303 = arith.constant 32 : index
      %get3A_304 = tpu.vector_load %arg10[%get3A_302, %get3A_303] {strides = array<i32>} : memref<512x64xf32, #tpu.memory_space<vmem>>, vector<16xf32>,
      %mul3A_305 = arith.mulf %get3A_301, %get3A_304 : vector<16xf32>
      %add3A_306 = arith.addf %add3A_298, %mul3A_305 : vector<16xf32>
      %get3A_307 = arith.index_cast %add3A_283 : i32 to index
      %get3A_308 = arith.constant 48 : index
      %get3A_309 = tpu.vector_load %arg9[%get3A_307, %get3A_308] {strides = array<i32>} : memref<512x64xf32, #tpu.memory_space<vmem>>, vector<16xf32>,
      %get3A_310 = arith.index_cast %add3A_283 : i32 to index
      %get3A_311 = arith.constant 48 : index
      %get3A_312 = tpu.vector_load %arg10[%get3A_310, %get3A_311] {strides = array<i32>} : memref<512x64xf32, #tpu.memory_space<vmem>>, vector<16xf32>,
      %mul3A_313 = arith.mulf %get3A_309, %get3A_312 : vector<16xf32>
      %add3A_314 = arith.addf %add3A_306, %mul3A_313 : vector<16xf32>
      %swap3A_315 = arith.constant 48 : index
      %swap3A_316 = tpu.vector_load %arg12[%swap3A_315] {strides = array<i32>} : memref<256xf32, #tpu.memory_space<vmem>>, vector<16xf32>,
      tpu.vector_store %arg12[%swap3A_315], %add3A_314 {strides = array<i32>} : memref<256xf32, #tpu.memory_space<vmem>>, vector<16xf32>,
      %mul3A_317 = arith.constant 16 : i32
      %mul3A_318 = arith.muli %scan3A_169, %mul3A_317 : i32
      %add3A_319 = arith.constant 4 : i32
      %add3A_320 = arith.addi %mul3A_318, %add3A_319 : i32
      %get3A_321 = arith.index_cast %add3A_320 : i32 to index
      %get3A_322 = arith.constant 0 : index
      %get3A_323 = tpu.vector_load %arg9[%get3A_321, %get3A_322] {strides = array<i32>} : memref<512x64xf32, #tpu.memory_space<vmem>>, vector<16xf32>,
      %get3A_324 = arith.index_cast %add3A_320 : i32 to index
      %get3A_325 = arith.constant 0 : index
      %get3A_326 = tpu.vector_load %arg10[%get3A_324, %get3A_325] {strides = array<i32>} : memref<512x64xf32, #tpu.memory_space<vmem>>, vector<16xf32>,
      %mul3A_327 = arith.mulf %get3A_323, %get3A_326 : vector<16xf32>
      %get3A_328 = arith.index_cast %add3A_320 : i32 to index
      %get3A_329 = arith.constant 16 : index
      %get3A_330 = tpu.vector_load %arg9[%get3A_328, %get3A_329] {strides = array<i32>} : memref<512x64xf32, #tpu.memory_space<vmem>>, vector<16xf32>,
      %get3A_331 = arith.index_cast %add3A_320 : i32 to index
      %get3A_332 = arith.constant 16 : index
      %get3A_333 = tpu.vector_load %arg10[%get3A_331, %get3A_332] {strides = array<i32>} : memref<512x64xf32, #tpu.memory_space<vmem>>, vector<16xf32>,
      %mul3A_334 = arith.mulf %get3A_330, %get3A_333 : vector<16xf32>
      %add3A_335 = arith.addf %mul3A_327, %mul3A_334 : vector<16xf32>
      %get3A_336 = arith.index_cast %add3A_320 : i32 to index
      %get3A_337 = arith.constant 32 : index
      %get3A_338 = tpu.vector_load %arg9[%get3A_336, %get3A_337] {strides = array<i32>} : memref<512x64xf32, #tpu.memory_space<vmem>>, vector<16xf32>,
      %get3A_339 = arith.index_cast %add3A_320 : i32 to index
      %get3A_340 = arith.constant 32 : index
      %get3A_341 = tpu.vector_load %arg10[%get3A_339, %get3A_340] {strides = array<i32>} : memref<512x64xf32, #tpu.memory_space<vmem>>, vector<16xf32>,
      %mul3A_342 = arith.mulf %get3A_338, %get3A_341 : vector<16xf32>
      %add3A_343 = arith.addf %add3A_335, %mul3A_342 : vector<16xf32>
      %get3A_344 = arith.index_cast %add3A_320 : i32 to index
      %get3A_345 = arith.constant 48 : index
      %get3A_346 = tpu.vector_load %arg9[%get3A_344, %get3A_345] {strides = array<i32>} : memref<512x64xf32, #tpu.memory_space<vmem>>, vector<16xf32>,
      %get3A_347 = arith.index_cast %add3A_320 : i32 to index
      %get3A_348 = arith.constant 48 : index
      %get3A_349 = tpu.vector_load %arg10[%get3A_347, %get3A_348] {strides = array<i32>} : memref<512x64xf32, #tpu.memory_space<vmem>>, vector<16xf32>,
      %mul3A_350 = arith.mulf %get3A_346, %get3A_349 : vector<16xf32>
      %add3A_351 = arith.addf %add3A_343, %mul3A_350 : vector<16xf32>
      %swap3A_352 = arith.constant 64 : index
      %swap3A_353 = tpu.vector_load %arg12[%swap3A_352] {strides = array<i32>} : memref<256xf32, #tpu.memory_space<vmem>>, vector<16xf32>,
      tpu.vector_store %arg12[%swap3A_352], %add3A_351 {strides = array<i32>} : memref<256xf32, #tpu.memory_space<vmem>>, vector<16xf32>,
      %mul3A_354 = arith.constant 16 : i32
      %mul3A_355 = arith.muli %scan3A_169, %mul3A_354 : i32
      %add3A_356 = arith.constant 5 : i32
      %add3A_357 = arith.addi %mul3A_355, %add3A_356 : i32
      %get3A_358 = arith.index_cast %add3A_357 : i32 to index
      %get3A_359 = arith.constant 0 : index
      %get3A_360 = tpu.vector_load %arg9[%get3A_358, %get3A_359] {strides = array<i32>} : memref<512x64xf32, #tpu.memory_space<vmem>>, vector<16xf32>,
      %get3A_361 = arith.index_cast %add3A_357 : i32 to index
      %get3A_362 = arith.constant 0 : index
      %get3A_363 = tpu.vector_load %arg10[%get3A_361, %get3A_362] {strides = array<i32>} : memref<512x64xf32, #tpu.memory_space<vmem>>, vector<16xf32>,
      %mul3A_364 = arith.mulf %get3A_360, %get3A_363 : vector<16xf32>
      %get3A_365 = arith.index_cast %add3A_357 : i32 to index
      %get3A_366 = arith.constant 16 : index
      %get3A_367 = tpu.vector_load %arg9[%get3A_365, %get3A_366] {strides = array<i32>} : memref<512x64xf32, #tpu.memory_space<vmem>>, vector<16xf32>,
      %get3A_368 = arith.index_cast %add3A_357 : i32 to index
      %get3A_369 = arith.constant 16 : index
      %get3A_370 = tpu.vector_load %arg10[%get3A_368, %get3A_369] {strides = array<i32>} : memref<512x64xf32, #tpu.memory_space<vmem>>, vector<16xf32>,
      %mul3A_371 = arith.mulf %get3A_367, %get3A_370 : vector<16xf32>
      %add3A_372 = arith.addf %mul3A_364, %mul3A_371 : vector<16xf32>
      %get3A_373 = arith.index_cast %add3A_357 : i32 to index
      %get3A_374 = arith.constant 32 : index
      %get3A_375 = tpu.vector_load %arg9[%get3A_373, %get3A_374] {strides = array<i32>} : memref<512x64xf32, #tpu.memory_space<vmem>>, vector<16xf32>,
      %get3A_376 = arith.index_cast %add3A_357 : i32 to index
      %get3A_377 = arith.constant 32 : index
      %get3A_378 = tpu.vector_load %arg10[%get3A_376, %get3A_377] {strides = array<i32>} : memref<512x64xf32, #tpu.memory_space<vmem>>, vector<16xf32>,
      %mul3A_379 = arith.mulf %get3A_375, %get3A_378 : vector<16xf32>
      %add3A_380 = arith.addf %add3A_372, %mul3A_379 : vector<16xf32>
      %get3A_381 = arith.index_cast %add3A_357 : i32 to index
      %get3A_382 = arith.constant 48 : index
      %get3A_383 = tpu.vector_load %arg9[%get3A_381, %get3A_382] {strides = array<i32>} : memref<512x64xf32, #tpu.memory_space<vmem>>, vector<16xf32>,
      %get3A_384 = arith.index_cast %add3A_357 : i32 to index
      %get3A_385 = arith.constant 48 : index
      %get3A_386 = tpu.vector_load %arg10[%get3A_384, %get3A_385] {strides = array<i32>} : memref<512x64xf32, #tpu.memory_space<vmem>>, vector<16xf32>,
      %mul3A_387 = arith.mulf %get3A_383, %get3A_386 : vector<16xf32>
      %add3A_388 = arith.addf %add3A_380, %mul3A_387 : vector<16xf32>
      %swap3A_389 = arith.constant 80 : index
      %swap3A_390 = tpu.vector_load %arg12[%swap3A_389] {strides = array<i32>} : memref<256xf32, #tpu.memory_space<vmem>>, vector<16xf32>,
      tpu.vector_store %arg12[%swap3A_389], %add3A_388 {strides = array<i32>} : memref<256xf32, #tpu.memory_space<vmem>>, vector<16xf32>,
      %mul3A_391 = arith.constant 16 : i32
      %mul3A_392 = arith.muli %scan3A_169, %mul3A_391 : i32
      %add3A_393 = arith.constant 6 : i32
      %add3A_394 = arith.addi %mul3A_392, %add3A_393 : i32
      %get3A_395 = arith.index_cast %add3A_394 : i32 to index
      %get3A_396 = arith.constant 0 : index
      %get3A_397 = tpu.vector_load %arg9[%get3A_395, %get3A_396] {strides = array<i32>} : memref<512x64xf32, #tpu.memory_space<vmem>>, vector<16xf32>,
      %get3A_398 = arith.index_cast %add3A_394 : i32 to index
      %get3A_399 = arith.constant 0 : index
      %get3A_400 = tpu.vector_load %arg10[%get3A_398, %get3A_399] {strides = array<i32>} : memref<512x64xf32, #tpu.memory_space<vmem>>, vector<16xf32>,
      %mul3A_401 = arith.mulf %get3A_397, %get3A_400 : vector<16xf32>
      %get3A_402 = arith.index_cast %add3A_394 : i32 to index
      %get3A_403 = arith.constant 16 : index
      %get3A_404 = tpu.vector_load %arg9[%get3A_402, %get3A_403] {strides = array<i32>} : memref<512x64xf32, #tpu.memory_space<vmem>>, vector<16xf32>,
      %get3A_405 = arith.index_cast %add3A_394 : i32 to index
      %get3A_406 = arith.constant 16 : index
      %get3A_407 = tpu.vector_load %arg10[%get3A_405, %get3A_406] {strides = array<i32>} : memref<512x64xf32, #tpu.memory_space<vmem>>, vector<16xf32>,
      %mul3A_408 = arith.mulf %get3A_404, %get3A_407 : vector<16xf32>
      %add3A_409 = arith.addf %mul3A_401, %mul3A_408 : vector<16xf32>
      %get3A_410 = arith.index_cast %add3A_394 : i32 to index
      %get3A_411 = arith.constant 32 : index
      %get3A_412 = tpu.vector_load %arg9[%get3A_410, %get3A_411] {strides = array<i32>} : memref<512x64xf32, #tpu.memory_space<vmem>>, vector<16xf32>,
      %get3A_413 = arith.index_cast %add3A_394 : i32 to index
      %get3A_414 = arith.constant 32 : index
      %get3A_415 = tpu.vector_load %arg10[%get3A_413, %get3A_414] {strides = array<i32>} : memref<512x64xf32, #tpu.memory_space<vmem>>, vector<16xf32>,
      %mul3A_416 = arith.mulf %get3A_412, %get3A_415 : vector<16xf32>
      %add3A_417 = arith.addf %add3A_409, %mul3A_416 : vector<16xf32>
      %get3A_418 = arith.index_cast %add3A_394 : i32 to index
      %get3A_419 = arith.constant 48 : index
      %get3A_420 = tpu.vector_load %arg9[%get3A_418, %get3A_419] {strides = array<i32>} : memref<512x64xf32, #tpu.memory_space<vmem>>, vector<16xf32>,
      %get3A_421 = arith.index_cast %add3A_394 : i32 to index
      %get3A_422 = arith.constant 48 : index
      %get3A_423 = tpu.vector_load %arg10[%get3A_421, %get3A_422] {strides = array<i32>} : memref<512x64xf32, #tpu.memory_space<vmem>>, vector<16xf32>,
      %mul3A_424 = arith.mulf %get3A_420, %get3A_423 : vector<16xf32>
      %add3A_425 = arith.addf %add3A_417, %mul3A_424 : vector<16xf32>
      %swap3A_426 = arith.constant 96 : index
      %swap3A_427 = tpu.vector_load %arg12[%swap3A_426] {strides = array<i32>} : memref<256xf32, #tpu.memory_space<vmem>>, vector<16xf32>,
      tpu.vector_store %arg12[%swap3A_426], %add3A_425 {strides = array<i32>} : memref<256xf32, #tpu.memory_space<vmem>>, vector<16xf32>,
      %mul3A_428 = arith.constant 16 : i32
      %mul3A_429 = arith.muli %scan3A_169, %mul3A_428 : i32
      %add3A_430 = arith.constant 7 : i32
      %add3A_431 = arith.addi %mul3A_429, %add3A_430 : i32
      %get3A_432 = arith.index_cast %add3A_431 : i32 to index
      %get3A_433 = arith.constant 0 : index
      %get3A_434 = tpu.vector_load %arg9[%get3A_432, %get3A_433] {strides = array<i32>} : memref<512x64xf32, #tpu.memory_space<vmem>>, vector<16xf32>,
      %get3A_435 = arith.index_cast %add3A_431 : i32 to index
      %get3A_436 = arith.constant 0 : index
      %get3A_437 = tpu.vector_load %arg10[%get3A_435, %get3A_436] {strides = array<i32>} : memref<512x64xf32, #tpu.memory_space<vmem>>, vector<16xf32>,
      %mul3A_438 = arith.mulf %get3A_434, %get3A_437 : vector<16xf32>
      %get3A_439 = arith.index_cast %add3A_431 : i32 to index
      %get3A_440 = arith.constant 16 : index
      %get3A_441 = tpu.vector_load %arg9[%get3A_439, %get3A_440] {strides = array<i32>} : memref<512x64xf32, #tpu.memory_space<vmem>>, vector<16xf32>,
      %get3A_442 = arith.index_cast %add3A_431 : i32 to index
      %get3A_443 = arith.constant 16 : index
      %get3A_444 = tpu.vector_load %arg10[%get3A_442, %get3A_443] {strides = array<i32>} : memref<512x64xf32, #tpu.memory_space<vmem>>, vector<16xf32>,
      %mul3A_445 = arith.mulf %get3A_441, %get3A_444 : vector<16xf32>
      %add3A_446 = arith.addf %mul3A_438, %mul3A_445 : vector<16xf32>
      %get3A_447 = arith.index_cast %add3A_431 : i32 to index
      %get3A_448 = arith.constant 32 : index
      %get3A_449 = tpu.vector_load %arg9[%get3A_447, %get3A_448] {strides = array<i32>} : memref<512x64xf32, #tpu.memory_space<vmem>>, vector<16xf32>,
      %get3A_450 = arith.index_cast %add3A_431 : i32 to index
      %get3A_451 = arith.constant 32 : index
      %get3A_452 = tpu.vector_load %arg10[%get3A_450, %get3A_451] {strides = array<i32>} : memref<512x64xf32, #tpu.memory_space<vmem>>, vector<16xf32>,
      %mul3A_453 = arith.mulf %get3A_449, %get3A_452 : vector<16xf32>
      %add3A_454 = arith.addf %add3A_446, %mul3A_453 : vector<16xf32>
      %get3A_455 = arith.index_cast %add3A_431 : i32 to index
      %get3A_456 = arith.constant 48 : index
      %get3A_457 = tpu.vector_load %arg9[%get3A_455, %get3A_456] {strides = array<i32>} : memref<512x64xf32, #tpu.memory_space<vmem>>, vector<16xf32>,
      %get3A_458 = arith.index_cast %add3A_431 : i32 to index
      %get3A_459 = arith.constant 48 : index
      %get3A_460 = tpu.vector_load %arg10[%get3A_458, %get3A_459] {strides = array<i32>} : memref<512x64xf32, #tpu.memory_space<vmem>>, vector<16xf32>,
      %mul3A_461 = arith.mulf %get3A_457, %get3A_460 : vector<16xf32>
      %add3A_462 = arith.addf %add3A_454, %mul3A_461 : vector<16xf32>
      %swap3A_463 = arith.constant 112 : index
      %swap3A_464 = tpu.vector_load %arg12[%swap3A_463] {strides = array<i32>} : memref<256xf32, #tpu.memory_space<vmem>>, vector<16xf32>,
      tpu.vector_store %arg12[%swap3A_463], %add3A_462 {strides = array<i32>} : memref<256xf32, #tpu.memory_space<vmem>>, vector<16xf32>,
      %mul3A_465 = arith.constant 16 : i32
      %mul3A_466 = arith.muli %scan3A_169, %mul3A_465 : i32
      %add3A_467 = arith.constant 8 : i32
      %add3A_468 = arith.addi %mul3A_466, %add3A_467 : i32
      %get3A_469 = arith.index_cast %add3A_468 : i32 to index
      %get3A_470 = arith.constant 0 : index
      %get3A_471 = tpu.vector_load %arg9[%get3A_469, %get3A_470] {strides = array<i32>} : memref<512x64xf32, #tpu.memory_space<vmem>>, vector<16xf32>,
      %get3A_472 = arith.index_cast %add3A_468 : i32 to index
      %get3A_473 = arith.constant 0 : index
      %get3A_474 = tpu.vector_load %arg10[%get3A_472, %get3A_473] {strides = array<i32>} : memref<512x64xf32, #tpu.memory_space<vmem>>, vector<16xf32>,
      %mul3A_475 = arith.mulf %get3A_471, %get3A_474 : vector<16xf32>
      %get3A_476 = arith.index_cast %add3A_468 : i32 to index
      %get3A_477 = arith.constant 16 : index
      %get3A_478 = tpu.vector_load %arg9[%get3A_476, %get3A_477] {strides = array<i32>} : memref<512x64xf32, #tpu.memory_space<vmem>>, vector<16xf32>,
      %get3A_479 = arith.index_cast %add3A_468 : i32 to index
      %get3A_480 = arith.constant 16 : index
      %get3A_481 = tpu.vector_load %arg10[%get3A_479, %get3A_480] {strides = array<i32>} : memref<512x64xf32, #tpu.memory_space<vmem>>, vector<16xf32>,
      %mul3A_482 = arith.mulf %get3A_478, %get3A_481 : vector<16xf32>
      %add3A_483 = arith.addf %mul3A_475, %mul3A_482 : vector<16xf32>
      %get3A_484 = arith.index_cast %add3A_468 : i32 to index
      %get3A_485 = arith.constant 32 : index
      %get3A_486 = tpu.vector_load %arg9[%get3A_484, %get3A_485] {strides = array<i32>} : memref<512x64xf32, #tpu.memory_space<vmem>>, vector<16xf32>,
      %get3A_487 = arith.index_cast %add3A_468 : i32 to index
      %get3A_488 = arith.constant 32 : index
      %get3A_489 = tpu.vector_load %arg10[%get3A_487, %get3A_488] {strides = array<i32>} : memref<512x64xf32, #tpu.memory_space<vmem>>, vector<16xf32>,
      %mul3A_490 = arith.mulf %get3A_486, %get3A_489 : vector<16xf32>
      %add3A_491 = arith.addf %add3A_483, %mul3A_490 : vector<16xf32>
      %get3A_492 = arith.index_cast %add3A_468 : i32 to index
      %get3A_493 = arith.constant 48 : index
      %get3A_494 = tpu.vector_load %arg9[%get3A_492, %get3A_493] {strides = array<i32>} : memref<512x64xf32, #tpu.memory_space<vmem>>, vector<16xf32>,
      %get3A_495 = arith.index_cast %add3A_468 : i32 to index
      %get3A_496 = arith.constant 48 : index
      %get3A_497 = tpu.vector_load %arg10[%get3A_495, %get3A_496] {strides = array<i32>} : memref<512x64xf32, #tpu.memory_space<vmem>>, vector<16xf32>,
      %mul3A_498 = arith.mulf %get3A_494, %get3A_497 : vector<16xf32>
      %add3A_499 = arith.addf %add3A_491, %mul3A_498 : vector<16xf32>
      %swap3A_500 = arith.constant 128 : index
      %swap3A_501 = tpu.vector_load %arg12[%swap3A_500] {strides = array<i32>} : memref<256xf32, #tpu.memory_space<vmem>>, vector<16xf32>,
      tpu.vector_store %arg12[%swap3A_500], %add3A_499 {strides = array<i32>} : memref<256xf32, #tpu.memory_space<vmem>>, vector<16xf32>,
      %mul3A_502 = arith.constant 16 : i32
      %mul3A_503 = arith.muli %scan3A_169, %mul3A_502 : i32
      %add3A_504 = arith.constant 9 : i32
      %add3A_505 = arith.addi %mul3A_503, %add3A_504 : i32
      %get3A_506 = arith.index_cast %add3A_505 : i32 to index
      %get3A_507 = arith.constant 0 : index
      %get3A_508 = tpu.vector_load %arg9[%get3A_506, %get3A_507] {strides = array<i32>} : memref<512x64xf32, #tpu.memory_space<vmem>>, vector<16xf32>,
      %get3A_509 = arith.index_cast %add3A_505 : i32 to index
      %get3A_510 = arith.constant 0 : index
      %get3A_511 = tpu.vector_load %arg10[%get3A_509, %get3A_510] {strides = array<i32>} : memref<512x64xf32, #tpu.memory_space<vmem>>, vector<16xf32>,
      %mul3A_512 = arith.mulf %get3A_508, %get3A_511 : vector<16xf32>
      %get3A_513 = arith.index_cast %add3A_505 : i32 to index
      %get3A_514 = arith.constant 16 : index
      %get3A_515 = tpu.vector_load %arg9[%get3A_513, %get3A_514] {strides = array<i32>} : memref<512x64xf32, #tpu.memory_space<vmem>>, vector<16xf32>,
      %get3A_516 = arith.index_cast %add3A_505 : i32 to index
      %get3A_517 = arith.constant 16 : index
      %get3A_518 = tpu.vector_load %arg10[%get3A_516, %get3A_517] {strides = array<i32>} : memref<512x64xf32, #tpu.memory_space<vmem>>, vector<16xf32>,
      %mul3A_519 = arith.mulf %get3A_515, %get3A_518 : vector<16xf32>
      %add3A_520 = arith.addf %mul3A_512, %mul3A_519 : vector<16xf32>
      %get3A_521 = arith.index_cast %add3A_505 : i32 to index
      %get3A_522 = arith.constant 32 : index
      %get3A_523 = tpu.vector_load %arg9[%get3A_521, %get3A_522] {strides = array<i32>} : memref<512x64xf32, #tpu.memory_space<vmem>>, vector<16xf32>,
      %get3A_524 = arith.index_cast %add3A_505 : i32 to index
      %get3A_525 = arith.constant 32 : index
      %get3A_526 = tpu.vector_load %arg10[%get3A_524, %get3A_525] {strides = array<i32>} : memref<512x64xf32, #tpu.memory_space<vmem>>, vector<16xf32>,
      %mul3A_527 = arith.mulf %get3A_523, %get3A_526 : vector<16xf32>
      %add3A_528 = arith.addf %add3A_520, %mul3A_527 : vector<16xf32>
      %get3A_529 = arith.index_cast %add3A_505 : i32 to index
      %get3A_530 = arith.constant 48 : index
      %get3A_531 = tpu.vector_load %arg9[%get3A_529, %get3A_530] {strides = array<i32>} : memref<512x64xf32, #tpu.memory_space<vmem>>, vector<16xf32>,
      %get3A_532 = arith.index_cast %add3A_505 : i32 to index
      %get3A_533 = arith.constant 48 : index
      %get3A_534 = tpu.vector_load %arg10[%get3A_532, %get3A_533] {strides = array<i32>} : memref<512x64xf32, #tpu.memory_space<vmem>>, vector<16xf32>,
      %mul3A_535 = arith.mulf %get3A_531, %get3A_534 : vector<16xf32>
      %add3A_536 = arith.addf %add3A_528, %mul3A_535 : vector<16xf32>
      %swap3A_537 = arith.constant 144 : index
      %swap3A_538 = tpu.vector_load %arg12[%swap3A_537] {strides = array<i32>} : memref<256xf32, #tpu.memory_space<vmem>>, vector<16xf32>,
      tpu.vector_store %arg12[%swap3A_537], %add3A_536 {strides = array<i32>} : memref<256xf32, #tpu.memory_space<vmem>>, vector<16xf32>,
      %mul3A_539 = arith.constant 16 : i32
      %mul3A_540 = arith.muli %scan3A_169, %mul3A_539 : i32
      %add3A_541 = arith.constant 10 : i32
      %add3A_542 = arith.addi %mul3A_540, %add3A_541 : i32
      %get3A_543 = arith.index_cast %add3A_542 : i32 to index
      %get3A_544 = arith.constant 0 : index
      %get3A_545 = tpu.vector_load %arg9[%get3A_543, %get3A_544] {strides = array<i32>} : memref<512x64xf32, #tpu.memory_space<vmem>>, vector<16xf32>,
      %get3A_546 = arith.index_cast %add3A_542 : i32 to index
      %get3A_547 = arith.constant 0 : index
      %get3A_548 = tpu.vector_load %arg10[%get3A_546, %get3A_547] {strides = array<i32>} : memref<512x64xf32, #tpu.memory_space<vmem>>, vector<16xf32>,
      %mul3A_549 = arith.mulf %get3A_545, %get3A_548 : vector<16xf32>
      %get3A_550 = arith.index_cast %add3A_542 : i32 to index
      %get3A_551 = arith.constant 16 : index
      %get3A_552 = tpu.vector_load %arg9[%get3A_550, %get3A_551] {strides = array<i32>} : memref<512x64xf32, #tpu.memory_space<vmem>>, vector<16xf32>,
      %get3A_553 = arith.index_cast %add3A_542 : i32 to index
      %get3A_554 = arith.constant 16 : index
      %get3A_555 = tpu.vector_load %arg10[%get3A_553, %get3A_554] {strides = array<i32>} : memref<512x64xf32, #tpu.memory_space<vmem>>, vector<16xf32>,
      %mul3A_556 = arith.mulf %get3A_552, %get3A_555 : vector<16xf32>
      %add3A_557 = arith.addf %mul3A_549, %mul3A_556 : vector<16xf32>
      %get3A_558 = arith.index_cast %add3A_542 : i32 to index
      %get3A_559 = arith.constant 32 : index
      %get3A_560 = tpu.vector_load %arg9[%get3A_558, %get3A_559] {strides = array<i32>} : memref<512x64xf32, #tpu.memory_space<vmem>>, vector<16xf32>,
      %get3A_561 = arith.index_cast %add3A_542 : i32 to index
      %get3A_562 = arith.constant 32 : index
      %get3A_563 = tpu.vector_load %arg10[%get3A_561, %get3A_562] {strides = array<i32>} : memref<512x64xf32, #tpu.memory_space<vmem>>, vector<16xf32>,
      %mul3A_564 = arith.mulf %get3A_560, %get3A_563 : vector<16xf32>
      %add3A_565 = arith.addf %add3A_557, %mul3A_564 : vector<16xf32>
      %get3A_566 = arith.index_cast %add3A_542 : i32 to index
      %get3A_567 = arith.constant 48 : index
      %get3A_568 = tpu.vector_load %arg9[%get3A_566, %get3A_567] {strides = array<i32>} : memref<512x64xf32, #tpu.memory_space<vmem>>, vector<16xf32>,
      %get3A_569 = arith.index_cast %add3A_542 : i32 to index
      %get3A_570 = arith.constant 48 : index
      %get3A_571 = tpu.vector_load %arg10[%get3A_569, %get3A_570] {strides = array<i32>} : memref<512x64xf32, #tpu.memory_space<vmem>>, vector<16xf32>,
      %mul3A_572 = arith.mulf %get3A_568, %get3A_571 : vector<16xf32>
      %add3A_573 = arith.addf %add3A_565, %mul3A_572 : vector<16xf32>
      %swap3A_574 = arith.constant 160 : index
      %swap3A_575 = tpu.vector_load %arg12[%swap3A_574] {strides = array<i32>} : memref<256xf32, #tpu.memory_space<vmem>>, vector<16xf32>,
      tpu.vector_store %arg12[%swap3A_574], %add3A_573 {strides = array<i32>} : memref<256xf32, #tpu.memory_space<vmem>>, vector<16xf32>,
      %mul3A_576 = arith.constant 16 : i32
      %mul3A_577 = arith.muli %scan3A_169, %mul3A_576 : i32
      %add3A_578 = arith.constant 11 : i32
      %add3A_579 = arith.addi %mul3A_577, %add3A_578 : i32
      %get3A_580 = arith.index_cast %add3A_579 : i32 to index
      %get3A_581 = arith.constant 0 : index
      %get3A_582 = tpu.vector_load %arg9[%get3A_580, %get3A_581] {strides = array<i32>} : memref<512x64xf32, #tpu.memory_space<vmem>>, vector<16xf32>,
      %get3A_583 = arith.index_cast %add3A_579 : i32 to index
      %get3A_584 = arith.constant 0 : index
      %get3A_585 = tpu.vector_load %arg10[%get3A_583, %get3A_584] {strides = array<i32>} : memref<512x64xf32, #tpu.memory_space<vmem>>, vector<16xf32>,
      %mul3A_586 = arith.mulf %get3A_582, %get3A_585 : vector<16xf32>
      %get3A_587 = arith.index_cast %add3A_579 : i32 to index
      %get3A_588 = arith.constant 16 : index
      %get3A_589 = tpu.vector_load %arg9[%get3A_587, %get3A_588] {strides = array<i32>} : memref<512x64xf32, #tpu.memory_space<vmem>>, vector<16xf32>,
      %get3A_590 = arith.index_cast %add3A_579 : i32 to index
      %get3A_591 = arith.constant 16 : index
      %get3A_592 = tpu.vector_load %arg10[%get3A_590, %get3A_591] {strides = array<i32>} : memref<512x64xf32, #tpu.memory_space<vmem>>, vector<16xf32>,
      %mul3A_593 = arith.mulf %get3A_589, %get3A_592 : vector<16xf32>
      %add3A_594 = arith.addf %mul3A_586, %mul3A_593 : vector<16xf32>
      %get3A_595 = arith.index_cast %add3A_579 : i32 to index
      %get3A_596 = arith.constant 32 : index
      %get3A_597 = tpu.vector_load %arg9[%get3A_595, %get3A_596] {strides = array<i32>} : memref<512x64xf32, #tpu.memory_space<vmem>>, vector<16xf32>,
      %get3A_598 = arith.index_cast %add3A_579 : i32 to index
      %get3A_599 = arith.constant 32 : index
      %get3A_600 = tpu.vector_load %arg10[%get3A_598, %get3A_599] {strides = array<i32>} : memref<512x64xf32, #tpu.memory_space<vmem>>, vector<16xf32>,
      %mul3A_601 = arith.mulf %get3A_597, %get3A_600 : vector<16xf32>
      %add3A_602 = arith.addf %add3A_594, %mul3A_601 : vector<16xf32>
      %get3A_603 = arith.index_cast %add3A_579 : i32 to index
      %get3A_604 = arith.constant 48 : index
      %get3A_605 = tpu.vector_load %arg9[%get3A_603, %get3A_604] {strides = array<i32>} : memref<512x64xf32, #tpu.memory_space<vmem>>, vector<16xf32>,
      %get3A_606 = arith.index_cast %add3A_579 : i32 to index
      %get3A_607 = arith.constant 48 : index
      %get3A_608 = tpu.vector_load %arg10[%get3A_606, %get3A_607] {strides = array<i32>} : memref<512x64xf32, #tpu.memory_space<vmem>>, vector<16xf32>,
      %mul3A_609 = arith.mulf %get3A_605, %get3A_608 : vector<16xf32>
      %add3A_610 = arith.addf %add3A_602, %mul3A_609 : vector<16xf32>
      %swap3A_611 = arith.constant 176 : index
      %swap3A_612 = tpu.vector_load %arg12[%swap3A_611] {strides = array<i32>} : memref<256xf32, #tpu.memory_space<vmem>>, vector<16xf32>,
      tpu.vector_store %arg12[%swap3A_611], %add3A_610 {strides = array<i32>} : memref<256xf32, #tpu.memory_space<vmem>>, vector<16xf32>,
      %mul3A_613 = arith.constant 16 : i32
      %mul3A_614 = arith.muli %scan3A_169, %mul3A_613 : i32
      %add3A_615 = arith.constant 12 : i32
      %add3A_616 = arith.addi %mul3A_614, %add3A_615 : i32
      %get3A_617 = arith.index_cast %add3A_616 : i32 to index
      %get3A_618 = arith.constant 0 : index
      %get3A_619 = tpu.vector_load %arg9[%get3A_617, %get3A_618] {strides = array<i32>} : memref<512x64xf32, #tpu.memory_space<vmem>>, vector<16xf32>,
      %get3A_620 = arith.index_cast %add3A_616 : i32 to index
      %get3A_621 = arith.constant 0 : index
      %get3A_622 = tpu.vector_load %arg10[%get3A_620, %get3A_621] {strides = array<i32>} : memref<512x64xf32, #tpu.memory_space<vmem>>, vector<16xf32>,
      %mul3A_623 = arith.mulf %get3A_619, %get3A_622 : vector<16xf32>
      %get3A_624 = arith.index_cast %add3A_616 : i32 to index
      %get3A_625 = arith.constant 16 : index
      %get3A_626 = tpu.vector_load %arg9[%get3A_624, %get3A_625] {strides = array<i32>} : memref<512x64xf32, #tpu.memory_space<vmem>>, vector<16xf32>,
      %get3A_627 = arith.index_cast %add3A_616 : i32 to index
      %get3A_628 = arith.constant 16 : index
      %get3A_629 = tpu.vector_load %arg10[%get3A_627, %get3A_628] {strides = array<i32>} : memref<512x64xf32, #tpu.memory_space<vmem>>, vector<16xf32>,
      %mul3A_630 = arith.mulf %get3A_626, %get3A_629 : vector<16xf32>
      %add3A_631 = arith.addf %mul3A_623, %mul3A_630 : vector<16xf32>
      %get3A_632 = arith.index_cast %add3A_616 : i32 to index
      %get3A_633 = arith.constant 32 : index
      %get3A_634 = tpu.vector_load %arg9[%get3A_632, %get3A_633] {strides = array<i32>} : memref<512x64xf32, #tpu.memory_space<vmem>>, vector<16xf32>,
      %get3A_635 = arith.index_cast %add3A_616 : i32 to index
      %get3A_636 = arith.constant 32 : index
      %get3A_637 = tpu.vector_load %arg10[%get3A_635, %get3A_636] {strides = array<i32>} : memref<512x64xf32, #tpu.memory_space<vmem>>, vector<16xf32>,
      %mul3A_638 = arith.mulf %get3A_634, %get3A_637 : vector<16xf32>
      %add3A_639 = arith.addf %add3A_631, %mul3A_638 : vector<16xf32>
      %get3A_640 = arith.index_cast %add3A_616 : i32 to index
      %get3A_641 = arith.constant 48 : index
      %get3A_642 = tpu.vector_load %arg9[%get3A_640, %get3A_641] {strides = array<i32>} : memref<512x64xf32, #tpu.memory_space<vmem>>, vector<16xf32>,
      %get3A_643 = arith.index_cast %add3A_616 : i32 to index
      %get3A_644 = arith.constant 48 : index
      %get3A_645 = tpu.vector_load %arg10[%get3A_643, %get3A_644] {strides = array<i32>} : memref<512x64xf32, #tpu.memory_space<vmem>>, vector<16xf32>,
      %mul3A_646 = arith.mulf %get3A_642, %get3A_645 : vector<16xf32>
      %add3A_647 = arith.addf %add3A_639, %mul3A_646 : vector<16xf32>
      %swap3A_648 = arith.constant 192 : index
      %swap3A_649 = tpu.vector_load %arg12[%swap3A_648] {strides = array<i32>} : memref<256xf32, #tpu.memory_space<vmem>>, vector<16xf32>,
      tpu.vector_store %arg12[%swap3A_648], %add3A_647 {strides = array<i32>} : memref<256xf32, #tpu.memory_space<vmem>>, vector<16xf32>,
      %mul3A_650 = arith.constant 16 : i32
      %mul3A_651 = arith.muli %scan3A_169, %mul3A_650 : i32
      %add3A_652 = arith.constant 13 : i32
      %add3A_653 = arith.addi %mul3A_651, %add3A_652 : i32
      %get3A_654 = arith.index_cast %add3A_653 : i32 to index
      %get3A_655 = arith.constant 0 : index
      %get3A_656 = tpu.vector_load %arg9[%get3A_654, %get3A_655] {strides = array<i32>} : memref<512x64xf32, #tpu.memory_space<vmem>>, vector<16xf32>,
      %get3A_657 = arith.index_cast %add3A_653 : i32 to index
      %get3A_658 = arith.constant 0 : index
      %get3A_659 = tpu.vector_load %arg10[%get3A_657, %get3A_658] {strides = array<i32>} : memref<512x64xf32, #tpu.memory_space<vmem>>, vector<16xf32>,
      %mul3A_660 = arith.mulf %get3A_656, %get3A_659 : vector<16xf32>
      %get3A_661 = arith.index_cast %add3A_653 : i32 to index
      %get3A_662 = arith.constant 16 : index
      %get3A_663 = tpu.vector_load %arg9[%get3A_661, %get3A_662] {strides = array<i32>} : memref<512x64xf32, #tpu.memory_space<vmem>>, vector<16xf32>,
      %get3A_664 = arith.index_cast %add3A_653 : i32 to index
      %get3A_665 = arith.constant 16 : index
      %get3A_666 = tpu.vector_load %arg10[%get3A_664, %get3A_665] {strides = array<i32>} : memref<512x64xf32, #tpu.memory_space<vmem>>, vector<16xf32>,
      %mul3A_667 = arith.mulf %get3A_663, %get3A_666 : vector<16xf32>
      %add3A_668 = arith.addf %mul3A_660, %mul3A_667 : vector<16xf32>
      %get3A_669 = arith.index_cast %add3A_653 : i32 to index
      %get3A_670 = arith.constant 32 : index
      %get3A_671 = tpu.vector_load %arg9[%get3A_669, %get3A_670] {strides = array<i32>} : memref<512x64xf32, #tpu.memory_space<vmem>>, vector<16xf32>,
      %get3A_672 = arith.index_cast %add3A_653 : i32 to index
      %get3A_673 = arith.constant 32 : index
      %get3A_674 = tpu.vector_load %arg10[%get3A_672, %get3A_673] {strides = array<i32>} : memref<512x64xf32, #tpu.memory_space<vmem>>, vector<16xf32>,
      %mul3A_675 = arith.mulf %get3A_671, %get3A_674 : vector<16xf32>
      %add3A_676 = arith.addf %add3A_668, %mul3A_675 : vector<16xf32>
      %get3A_677 = arith.index_cast %add3A_653 : i32 to index
      %get3A_678 = arith.constant 48 : index
      %get3A_679 = tpu.vector_load %arg9[%get3A_677, %get3A_678] {strides = array<i32>} : memref<512x64xf32, #tpu.memory_space<vmem>>, vector<16xf32>,
      %get3A_680 = arith.index_cast %add3A_653 : i32 to index
      %get3A_681 = arith.constant 48 : index
      %get3A_682 = tpu.vector_load %arg10[%get3A_680, %get3A_681] {strides = array<i32>} : memref<512x64xf32, #tpu.memory_space<vmem>>, vector<16xf32>,
      %mul3A_683 = arith.mulf %get3A_679, %get3A_682 : vector<16xf32>
      %add3A_684 = arith.addf %add3A_676, %mul3A_683 : vector<16xf32>
      %swap3A_685 = arith.constant 208 : index
      %swap3A_686 = tpu.vector_load %arg12[%swap3A_685] {strides = array<i32>} : memref<256xf32, #tpu.memory_space<vmem>>, vector<16xf32>,
      tpu.vector_store %arg12[%swap3A_685], %add3A_684 {strides = array<i32>} : memref<256xf32, #tpu.memory_space<vmem>>, vector<16xf32>,
      %mul3A_687 = arith.constant 16 : i32
      %mul3A_688 = arith.muli %scan3A_169, %mul3A_687 : i32
      %add3A_689 = arith.constant 14 : i32
      %add3A_690 = arith.addi %mul3A_688, %add3A_689 : i32
      %get3A_691 = arith.index_cast %add3A_690 : i32 to index
      %get3A_692 = arith.constant 0 : index
      %get3A_693 = tpu.vector_load %arg9[%get3A_691, %get3A_692] {strides = array<i32>} : memref<512x64xf32, #tpu.memory_space<vmem>>, vector<16xf32>,
      %get3A_694 = arith.index_cast %add3A_690 : i32 to index
      %get3A_695 = arith.constant 0 : index
      %get3A_696 = tpu.vector_load %arg10[%get3A_694, %get3A_695] {strides = array<i32>} : memref<512x64xf32, #tpu.memory_space<vmem>>, vector<16xf32>,
      %mul3A_697 = arith.mulf %get3A_693, %get3A_696 : vector<16xf32>
      %get3A_698 = arith.index_cast %add3A_690 : i32 to index
      %get3A_699 = arith.constant 16 : index
      %get3A_700 = tpu.vector_load %arg9[%get3A_698, %get3A_699] {strides = array<i32>} : memref<512x64xf32, #tpu.memory_space<vmem>>, vector<16xf32>,
      %get3A_701 = arith.index_cast %add3A_690 : i32 to index
      %get3A_702 = arith.constant 16 : index
      %get3A_703 = tpu.vector_load %arg10[%get3A_701, %get3A_702] {strides = array<i32>} : memref<512x64xf32, #tpu.memory_space<vmem>>, vector<16xf32>,
      %mul3A_704 = arith.mulf %get3A_700, %get3A_703 : vector<16xf32>
      %add3A_705 = arith.addf %mul3A_697, %mul3A_704 : vector<16xf32>
      %get3A_706 = arith.index_cast %add3A_690 : i32 to index
      %get3A_707 = arith.constant 32 : index
      %get3A_708 = tpu.vector_load %arg9[%get3A_706, %get3A_707] {strides = array<i32>} : memref<512x64xf32, #tpu.memory_space<vmem>>, vector<16xf32>,
      %get3A_709 = arith.index_cast %add3A_690 : i32 to index
      %get3A_710 = arith.constant 32 : index
      %get3A_711 = tpu.vector_load %arg10[%get3A_709, %get3A_710] {strides = array<i32>} : memref<512x64xf32, #tpu.memory_space<vmem>>, vector<16xf32>,
      %mul3A_712 = arith.mulf %get3A_708, %get3A_711 : vector<16xf32>
      %add3A_713 = arith.addf %add3A_705, %mul3A_712 : vector<16xf32>
      %get3A_714 = arith.index_cast %add3A_690 : i32 to index
      %get3A_715 = arith.constant 48 : index
      %get3A_716 = tpu.vector_load %arg9[%get3A_714, %get3A_715] {strides = array<i32>} : memref<512x64xf32, #tpu.memory_space<vmem>>, vector<16xf32>,
      %get3A_717 = arith.index_cast %add3A_690 : i32 to index
      %get3A_718 = arith.constant 48 : index
      %get3A_719 = tpu.vector_load %arg10[%get3A_717, %get3A_718] {strides = array<i32>} : memref<512x64xf32, #tpu.memory_space<vmem>>, vector<16xf32>,
      %mul3A_720 = arith.mulf %get3A_716, %get3A_719 : vector<16xf32>
      %add3A_721 = arith.addf %add3A_713, %mul3A_720 : vector<16xf32>
      %swap3A_722 = arith.constant 224 : index
      %swap3A_723 = tpu.vector_load %arg12[%swap3A_722] {strides = array<i32>} : memref<256xf32, #tpu.memory_space<vmem>>, vector<16xf32>,
      tpu.vector_store %arg12[%swap3A_722], %add3A_721 {strides = array<i32>} : memref<256xf32, #tpu.memory_space<vmem>>, vector<16xf32>,
      %mul3A_724 = arith.constant 16 : i32
      %mul3A_725 = arith.muli %scan3A_169, %mul3A_724 : i32
      %add3A_726 = arith.constant 15 : i32
      %add3A_727 = arith.addi %mul3A_725, %add3A_726 : i32
      %get3A_728 = arith.index_cast %add3A_727 : i32 to index
      %get3A_729 = arith.constant 0 : index
      %get3A_730 = tpu.vector_load %arg9[%get3A_728, %get3A_729] {strides = array<i32>} : memref<512x64xf32, #tpu.memory_space<vmem>>, vector<16xf32>,
      %get3A_731 = arith.index_cast %add3A_727 : i32 to index
      %get3A_732 = arith.constant 0 : index
      %get3A_733 = tpu.vector_load %arg10[%get3A_731, %get3A_732] {strides = array<i32>} : memref<512x64xf32, #tpu.memory_space<vmem>>, vector<16xf32>,
      %mul3A_734 = arith.mulf %get3A_730, %get3A_733 : vector<16xf32>
      %get3A_735 = arith.index_cast %add3A_727 : i32 to index
      %get3A_736 = arith.constant 16 : index
      %get3A_737 = tpu.vector_load %arg9[%get3A_735, %get3A_736] {strides = array<i32>} : memref<512x64xf32, #tpu.memory_space<vmem>>, vector<16xf32>,
      %get3A_738 = arith.index_cast %add3A_727 : i32 to index
      %get3A_739 = arith.constant 16 : index
      %get3A_740 = tpu.vector_load %arg10[%get3A_738, %get3A_739] {strides = array<i32>} : memref<512x64xf32, #tpu.memory_space<vmem>>, vector<16xf32>,
      %mul3A_741 = arith.mulf %get3A_737, %get3A_740 : vector<16xf32>
      %add3A_742 = arith.addf %mul3A_734, %mul3A_741 : vector<16xf32>
      %get3A_743 = arith.index_cast %add3A_727 : i32 to index
      %get3A_744 = arith.constant 32 : index
      %get3A_745 = tpu.vector_load %arg9[%get3A_743, %get3A_744] {strides = array<i32>} : memref<512x64xf32, #tpu.memory_space<vmem>>, vector<16xf32>,
      %get3A_746 = arith.index_cast %add3A_727 : i32 to index
      %get3A_747 = arith.constant 32 : index
      %get3A_748 = tpu.vector_load %arg10[%get3A_746, %get3A_747] {strides = array<i32>} : memref<512x64xf32, #tpu.memory_space<vmem>>, vector<16xf32>,
      %mul3A_749 = arith.mulf %get3A_745, %get3A_748 : vector<16xf32>
      %add3A_750 = arith.addf %add3A_742, %mul3A_749 : vector<16xf32>
      %get3A_751 = arith.index_cast %add3A_727 : i32 to index
      %get3A_752 = arith.constant 48 : index
      %get3A_753 = tpu.vector_load %arg9[%get3A_751, %get3A_752] {strides = array<i32>} : memref<512x64xf32, #tpu.memory_space<vmem>>, vector<16xf32>,
      %get3A_754 = arith.index_cast %add3A_727 : i32 to index
      %get3A_755 = arith.constant 48 : index
      %get3A_756 = tpu.vector_load %arg10[%get3A_754, %get3A_755] {strides = array<i32>} : memref<512x64xf32, #tpu.memory_space<vmem>>, vector<16xf32>,
      %mul3A_757 = arith.mulf %get3A_753, %get3A_756 : vector<16xf32>
      %add3A_758 = arith.addf %add3A_750, %mul3A_757 : vector<16xf32>
      %swap3A_759 = arith.constant 240 : index
      %swap3A_760 = tpu.vector_load %arg12[%swap3A_759] {strides = array<i32>} : memref<256xf32, #tpu.memory_space<vmem>>, vector<16xf32>,
      tpu.vector_store %arg12[%swap3A_759], %add3A_758 {strides = array<i32>} : memref<256xf32, #tpu.memory_space<vmem>>, vector<16xf32>,
      %mul3A_761 = arith.constant 16 : i32
      %mul3A_762 = vector.broadcast %mul3A_761 : i32 to vector<16xi32>
      %mul3A_763 = arith.muli %iota3A, %mul3A_762 : vector<16xi32>
      %gather3A = tpu.vector_load_idx %arg12[%mul3A_763] : memref<256xf32, #tpu.memory_space<vmem>>[vector<16xi32>], vector<16xf32>,
      %add3A_764 = arith.constant 1 : i32
      %add3A_765 = vector.broadcast %add3A_764 : i32 to vector<16xi32>
      %add3A_766 = arith.addi %mul3A_763, %add3A_765 : vector<16xi32>
      %gather3A_767 = tpu.vector_load_idx %arg12[%add3A_766] : memref<256xf32, #tpu.memory_space<vmem>>[vector<16xi32>], vector<16xf32>,
      %add3A_768 = arith.addf %gather3A, %gather3A_767 : vector<16xf32>
      %add3A_769 = arith.constant 2 : i32
      %add3A_770 = vector.broadcast %add3A_769 : i32 to vector<16xi32>
      %add3A_771 = arith.addi %mul3A_763, %add3A_770 : vector<16xi32>
      %gather3A_772 = tpu.vector_load_idx %arg12[%add3A_771] : memref<256xf32, #tpu.memory_space<vmem>>[vector<16xi32>], vector<16xf32>,
      %add3A_773 = arith.addf %add3A_768, %gather3A_772 : vector<16xf32>
      %add3A_774 = arith.constant 3 : i32
      %add3A_775 = vector.broadcast %add3A_774 : i32 to vector<16xi32>
      %add3A_776 = arith.addi %mul3A_763, %add3A_775 : vector<16xi32>
      %gather3A_777 = tpu.vector_load_idx %arg12[%add3A_776] : memref<256xf32, #tpu.memory_space<vmem>>[vector<16xi32>], vector<16xf32>,
      %add3A_778 = arith.addf %add3A_773, %gather3A_777 : vector<16xf32>
      %add3A_779 = arith.constant 4 : i32
      %add3A_780 = vector.broadcast %add3A_779 : i32 to vector<16xi32>
      %add3A_781 = arith.addi %mul3A_763, %add3A_780 : vector<16xi32>
      %gather3A_782 = tpu.vector_load_idx %arg12[%add3A_781] : memref<256xf32, #tpu.memory_space<vmem>>[vector<16xi32>], vector<16xf32>,
      %add3A_783 = arith.addf %add3A_778, %gather3A_782 : vector<16xf32>
      %add3A_784 = arith.constant 5 : i32
      %add3A_785 = vector.broadcast %add3A_784 : i32 to vector<16xi32>
      %add3A_786 = arith.addi %mul3A_763, %add3A_785 : vector<16xi32>
      %gather3A_787 = tpu.vector_load_idx %arg12[%add3A_786] : memref<256xf32, #tpu.memory_space<vmem>>[vector<16xi32>], vector<16xf32>,
      %add3A_788 = arith.addf %add3A_783, %gather3A_787 : vector<16xf32>
      %add3A_789 = arith.constant 6 : i32
      %add3A_790 = vector.broadcast %add3A_789 : i32 to vector<16xi32>
      %add3A_791 = arith.addi %mul3A_763, %add3A_790 : vector<16xi32>
      %gather3A_792 = tpu.vector_load_idx %arg12[%add3A_791] : memref<256xf32, #tpu.memory_space<vmem>>[vector<16xi32>], vector<16xf32>,
      %add3A_793 = arith.addf %add3A_788, %gather3A_792 : vector<16xf32>
      %add3A_794 = arith.constant 7 : i32
      %add3A_795 = vector.broadcast %add3A_794 : i32 to vector<16xi32>
      %add3A_796 = arith.addi %mul3A_763, %add3A_795 : vector<16xi32>
      %gather3A_797 = tpu.vector_load_idx %arg12[%add3A_796] : memref<256xf32, #tpu.memory_space<vmem>>[vector<16xi32>], vector<16xf32>,
      %add3A_798 = arith.addf %add3A_793, %gather3A_797 : vector<16xf32>
      %add3A_799 = arith.constant 8 : i32
      %add3A_800 = vector.broadcast %add3A_799 : i32 to vector<16xi32>
      %add3A_801 = arith.addi %mul3A_763, %add3A_800 : vector<16xi32>
      %gather3A_802 = tpu.vector_load_idx %arg12[%add3A_801] : memref<256xf32, #tpu.memory_space<vmem>>[vector<16xi32>], vector<16xf32>,
      %add3A_803 = arith.addf %add3A_798, %gather3A_802 : vector<16xf32>
      %add3A_804 = arith.constant 9 : i32
      %add3A_805 = vector.broadcast %add3A_804 : i32 to vector<16xi32>
      %add3A_806 = arith.addi %mul3A_763, %add3A_805 : vector<16xi32>
      %gather3A_807 = tpu.vector_load_idx %arg12[%add3A_806] : memref<256xf32, #tpu.memory_space<vmem>>[vector<16xi32>], vector<16xf32>,
      %add3A_808 = arith.addf %add3A_803, %gather3A_807 : vector<16xf32>
      %add3A_809 = arith.constant 10 : i32
      %add3A_810 = vector.broadcast %add3A_809 : i32 to vector<16xi32>
      %add3A_811 = arith.addi %mul3A_763, %add3A_810 : vector<16xi32>
      %gather3A_812 = tpu.vector_load_idx %arg12[%add3A_811] : memref<256xf32, #tpu.memory_space<vmem>>[vector<16xi32>], vector<16xf32>,
      %add3A_813 = arith.addf %add3A_808, %gather3A_812 : vector<16xf32>
      %add3A_814 = arith.constant 11 : i32
      %add3A_815 = vector.broadcast %add3A_814 : i32 to vector<16xi32>
      %add3A_816 = arith.addi %mul3A_763, %add3A_815 : vector<16xi32>
      %gather3A_817 = tpu.vector_load_idx %arg12[%add3A_816] : memref<256xf32, #tpu.memory_space<vmem>>[vector<16xi32>], vector<16xf32>,
      %add3A_818 = arith.addf %add3A_813, %gather3A_817 : vector<16xf32>
      %add3A_819 = arith.constant 12 : i32
      %add3A_820 = vector.broadcast %add3A_819 : i32 to vector<16xi32>
      %add3A_821 = arith.addi %mul3A_763, %add3A_820 : vector<16xi32>
      %gather3A_822 = tpu.vector_load_idx %arg12[%add3A_821] : memref<256xf32, #tpu.memory_space<vmem>>[vector<16xi32>], vector<16xf32>,
      %add3A_823 = arith.addf %add3A_818, %gather3A_822 : vector<16xf32>
      %add3A_824 = arith.constant 13 : i32
      %add3A_825 = vector.broadcast %add3A_824 : i32 to vector<16xi32>
      %add3A_826 = arith.addi %mul3A_763, %add3A_825 : vector<16xi32>
      %gather3A_827 = tpu.vector_load_idx %arg12[%add3A_826] : memref<256xf32, #tpu.memory_space<vmem>>[vector<16xi32>], vector<16xf32>,
      %add3A_828 = arith.addf %add3A_823, %gather3A_827 : vector<16xf32>
      %add3A_829 = arith.constant 14 : i32
      %add3A_830 = vector.broadcast %add3A_829 : i32 to vector<16xi32>
      %add3A_831 = arith.addi %mul3A_763, %add3A_830 : vector<16xi32>
      %gather3A_832 = tpu.vector_load_idx %arg12[%add3A_831] : memref<256xf32, #tpu.memory_space<vmem>>[vector<16xi32>], vector<16xf32>,
      %add3A_833 = arith.addf %add3A_828, %gather3A_832 : vector<16xf32>
      %add3A_834 = arith.constant 15 : i32
      %add3A_835 = vector.broadcast %add3A_834 : i32 to vector<16xi32>
      %add3A_836 = arith.addi %mul3A_763, %add3A_835 : vector<16xi32>
      %gather3A_837 = tpu.vector_load_idx %arg12[%add3A_836] : memref<256xf32, #tpu.memory_space<vmem>>[vector<16xi32>], vector<16xf32>,
      %add3A_838 = arith.addf %add3A_833, %gather3A_837 : vector<16xf32>
      %mul3A_839 = arith.constant 16 : i32
      %mul3A_840 = arith.muli %scan3A_169, %mul3A_839 : i32
      %multiple_of3A = tpu.assume_multiple %mul3A_840, 16 : i32
      %swap3A_841 = arith.index_cast %multiple_of3A : i32 to index
      %swap3A_842 = tpu.vector_load %arg11[%swap3A_841] {strides = array<i32>} : memref<512xf32, #tpu.memory_space<vmem>>, vector<16xf32>,
      tpu.vector_store %arg11[%swap3A_841], %add3A_838 {strides = array<i32>} : memref<512xf32, #tpu.memory_space<vmem>>, vector<16xf32>,
      %scan3A_843 = arith.constant 0 : i32
      scf.yield %scan3A_843 : i32
    }
    %scan3A_166 = arith.constant 32 : i32
    %mul3A_167 = arith.constant 512 : i32
    %mul3A_168 = arith.muli %add3A, %mul3A_167 : i32
    "tpu.region"() ({
      %run_scoped3A = tpu.sem_alloc : memref<!tpu.dma_semaphore, #tpu.memory_space<semaphore_mem>>
      %dma_start3A_169 = tpu.memref_slice %arg6[%mul3A_168] : memref<16384xf32, #tpu.memory_space<hbm>> -> memref<512xf32, #tpu.memory_space<hbm>>
      %dma_start3A_170 = tpu.memref_slice %arg6[%mul3A_168] : memref<16384xf32, #tpu.memory_space<hbm>> -> memref<512xf32, #tpu.memory_space<hbm>>
      tpu.enqueue_dma source(%arg11 : memref<512xf32, #tpu.memory_space<vmem>>) target(%dma_start3A_170 : memref<512xf32, #tpu.memory_space<hbm>>) target_semaphore(%run_scoped3A : memref<!tpu.dma_semaphore, #tpu.memory_space<semaphore_mem>>)
      %dma_wait3A_171 = tpu.memref_slice %arg6[%mul3A_168] : memref<16384xf32, #tpu.memory_space<hbm>> -> memref<512xf32, #tpu.memory_space<hbm>>
      %dma_wait3A_172 = tpu.memref_slice %arg6[%mul3A_168] : memref<16384xf32, #tpu.memory_space<hbm>> -> memref<512xf32, #tpu.memory_space<hbm>>
      tpu.wait_dma2 semaphore(%run_scoped3A : memref<!tpu.dma_semaphore, #tpu.memory_space<semaphore_mem>>) src(%arg11 : memref<512xf32, #tpu.memory_space<vmem>>) dst(%dma_wait3A_172 : memref<512xf32, #tpu.memory_space<hbm>>)
      tpu.yield
    }) : () -> ()
    return
  }
}

</mosaic_0001>

<sc_bundles>
// kernel: _bpr_sc.3.cloned.1.call-start
scs
__scs_entry_jumppad:
0x0: {  	(pc) =	sbr.rel $0x88, $3  }
0x1: {  	(tag) =	ssettag $0x0;
	lr =	simm.s32 $0x1  }
0x2: {  	[smem:$0x3F9D] =	sst lr;
	_ =	strace $0xD0000000  }
0x3: {  	_ = 	snop  }
0x4: {  	_ = 	snop  }
0x5: {  	_ = 	snop  }
0x6: {  	_ = 	snop  }
0x7: {  	_ = 	snop  }
__scs_overlays_trampoline_lowered:
0x8: {  	[smem:$0x3FAC] =	sst s0  }
0x9: {  	[smem:$0x3FAD] =	sst s1  }
0xa: {  	[smem:$0x3FAE] =	sst s2  }
0xb: {  	[smem:$0x3FAF] =	sst s3  }
0xc: {  	[smem:$0x3FB0] =	sst s4  }
0xd: {  	[smem:$0x3FB1] =	sst s5  }
0xe: {  	[smem:$0x3FB2] =	sst s6  }
0xf: {  	[smem:$0x3FB3] =	sst s7  }
0x10: {  	[smem:$0x3FB4] =	sst s8  }
0x11: {  	[smem:$0x3FB5] =	sst s9;
	s0 =	simm.s32 @!p0 $0x0  }
0x12: {  	s1 =	sld [smem:$0x3F9B];
	s0 =	simm.s32 @p0 $0x1  }
0x13: {  	[smem:$0x3FB6] =	sst s0;
	s0 =	simm.s32 @!p1 $0x0  }
0x14: {  	s2 =	sld [smem:$0x3F9A];
	s0 =	simm.s32 @p1 $0x1  }
0x15: {  	[smem:$0x3FB7] =	sst s0;
	s0 =	simm.s32 @!p2 $0x0  }
0x16: {  	s3 =	sld [smem:$0x3FDB];
	s0 =	simm.s32 @p2 $0x1  }
0x17: {  	s4 =	simm.s32 $0x1BF5;
	[smem:$0x3FB9] =	sst s0  }
0x18: {  	s0 =	sld [smem:$0x3F9C];
	_ =	swait.ge [sflag:s4], $0x0  }
0x19: {  	s7 =	sld [smem:$0x3F9D]  }
0x1a: {  	s8 =	sadd.s32 $0xFFFFE003, lr  }
0x1b: {  	s9 =	sadd.s32 $0xFFFFFEF7, lr;
	s5 =	simm.s32 $0xFFFFFFFF;
	p2 =	slt.u32 s8, $0xFFFFF086  }
0x1c: {  	p1 =	slt.u32 s9, $0xF7A;
	s5 =	simm.s32 @!p2 $0x0  }
0x1d: {  	s5 =	simm.s32 @p1 $0x1;
	p0 =	seq.s32 s7, s2  }
0x1e: {  	s7 =	smul.u32 @!p0 $0xF7A, s2;
	p2 =	seq.s32 @!p0 s5, $0x0  }
0x1f: {  	s9 =	smul.u32 $0xF7A, s1;
	s8 =	simm.s32 @!p0 $0x1BF5;
	p2 =	por !p2, p0  }
0x20: {  	[sflag:s8] =	ssyncset.s32 @!p0 $0xFFFFF086;
	s6 =	sadd.s32 @!p0 s3, s7;
	s7 =	simm.s32 @!p0 $0x108  }
0x21: {  	s3 =	sadd.s32 s3, s9;
	s6 =	sadd.s32 @!p0 $0x88, s6;
	s7 =	simm.s32 @p2 $0x1082  }
0x22: {  	[simem:s7], [sflag:s8] =	dma.local @!p0 [hbm:s6], $0xF7A  }
0x23: {  	s9 =	sor.u32 $0xD0000000, s2;
	s6 =	simm.s32 $0x108;
	_ =	swait.ge @!p0 [sflag:s8], $0x0  }
0x24: {  	s3 =	sadd.s32 $0x88, s3;
	s6 =	simm.s32 @!p1 $0x1082;
	[sflag:s4] =	ssyncset.s32 $0xFFFFF086  }
0x25: {  	[simem:s6], [sflag:s4] =	dma.local [hbm:s3], $0xF7A  }
0x26: {  	[smem:$0x3F9D] =	sst s1;
	(tag) =	ssettag s2;
	_ =	strace s9  }
0x27: {  	s1 =	sld [smem:$0x3FAD]  }
0x28: {  	s2 =	sld [smem:$0x3FAE]  }
0x29: {  	s4 =	sld [smem:$0x3FB0]  }
0x2a: {  	p0 =	seq.s32 s5, $0x0;
	s5 =	sld [smem:$0x3FB1]  }
0x2b: {  	s6 =	sld [smem:$0x3FB2]  }
0x2c: {  	s7 =	sld [smem:$0x3FB3]  }
0x2d: {  	s3 =	simm.s32 $0x108;
	s8 =	sld [smem:$0x3FB4]  }
0x2e: {  	s3 =	simm.s32 @!p0 $0x1082;
	s9 =	sld [smem:$0x3FB5]  }
0x2f: {  	lr =	sadd.s32 s0, s3;
	s0 =	sld [smem:$0x3FAC]  }
0x30: {  	s3 =	sld [smem:$0x3FAF]  }
0x31: {  	[smem:$0x3FB8] =	sst s10  }
0x32: {  	s10 =	sld [smem:$0x3FB6];
	_ =	sdelay $0x3  }
0x33: {  	p0 =	seq.s32 s10, $0x1;
	s10 =	sld [smem:$0x3FB8];
	_ =	sdelay $0x3  }
0x34: {  	[smem:$0x3FB8] =	sst s10  }
0x35: {  	s10 =	sld [smem:$0x3FB7];
	_ =	sdelay $0x3  }
0x36: {  	p1 =	seq.s32 s10, $0x1;
	s10 =	sld [smem:$0x3FB8];
	_ =	sdelay $0x3  }
0x37: {  	[smem:$0x3FB8] =	sst s10  }
0x38: {  	s10 =	sld [smem:$0x3FB9]  }
0x39: {  	_ = 	snop;
	(pc) =	sbr.ind lr, $3  }
0x3a: {  	_ = 	snop  }
0x3b: {  	_ = 	snop  }
0x3c: {  	p2 =	seq.s32 s10, $0x1;
	s10 =	sld [smem:$0x3FB8]  }
0x3d: {  	_ =	shalt  }
0x3e: {  	_ =	shalt  }
0x3f: {  	_ =	shalt  }
0x40: {  	_ =	shalt  }
0x41: {  	_ =	shalt  }
0x42: {  	_ =	shalt  }
0x43: {  	_ =	shalt  }
0x44: {  	_ =	shalt  }
0x45: {  	_ =	shalt  }
0x46: {  	_ =	shalt  }
0x47: {  	_ =	shalt  }
0x48: {  	_ =	shalt  }
0x49: {  	_ =	shalt  }
0x4a: {  	_ =	shalt  }
0x4b: {  	_ =	shalt  }
0x4c: {  	_ =	shalt  }
0x4d: {  	_ =	shalt  }
0x4e: {  	_ =	shalt  }
0x4f: {  	_ =	shalt  }
0x50: {  	_ =	shalt  }
0x51: {  	_ =	shalt  }
0x52: {  	_ =	shalt  }
0x53: {  	_ =	shalt  }
0x54: {  	_ =	shalt  }
0x55: {  	_ =	shalt  }
0x56: {  	_ =	shalt  }
0x57: {  	_ =	shalt  }
0x58: {  	_ =	shalt  }
0x59: {  	_ =	shalt  }
0x5a: {  	_ =	shalt  }
0x5b: {  	_ =	shalt  }
0x5c: {  	_ =	shalt  }
0x5d: {  	_ =	shalt  }
0x5e: {  	_ =	shalt  }
0x5f: {  	_ =	shalt  }
0x60: {  	_ =	shalt  }
0x61: {  	_ =	shalt  }
0x62: {  	_ =	shalt  }
0x63: {  	_ =	shalt  }
0x64: {  	_ =	shalt  }
0x65: {  	_ =	shalt  }
0x66: {  	_ =	shalt  }
0x67: {  	_ =	shalt  }
0x68: {  	_ =	shalt  }
0x69: {  	_ =	shalt  }
0x6a: {  	_ =	shalt  }
0x6b: {  	_ =	shalt  }
0x6c: {  	_ =	shalt  }
0x6d: {  	_ =	shalt  }
0x6e: {  	_ =	shalt  }
0x6f: {  	_ =	shalt  }
0x70: {  	_ =	shalt  }
0x71: {  	_ =	shalt  }
0x72: {  	_ =	shalt  }
0x73: {  	_ =	shalt  }
0x74: {  	_ =	shalt  }
0x75: {  	_ =	shalt  }
0x76: {  	_ =	shalt  }
0x77: {  	_ =	shalt  }
0x78: {  	_ =	shalt  }
0x79: {  	_ =	shalt  }
0x7a: {  	_ =	shalt  }
0x7b: {  	_ =	shalt  }
0x7c: {  	_ =	shalt  }
0x7d: {  	_ =	shalt  }
0x7e: {  	_ =	shalt  }
0x7f: {  	_ =	shalt  }
0x80: {  	_ =	shalt  }
0x81: {  	_ =	shalt  }
0x82: {  	_ =	shalt  }
0x83: {  	_ =	shalt  }
0x84: {  	_ =	shalt  }
0x85: {  	_ =	shalt  }
0x86: {  	_ =	shalt  }
0x87: {  	_ =	shalt  }
.Lfunc_end0:
.L_simem_size_0:
called_computation_lowered:
.L_overlay_start_0:
0x88: {  	s2 =	sld [smem:$0x3FD9]  }
0x89: {  	s3 =	sld [smem:$0x3FFE];
	_ =	sdelay $0x1  }
0x8a: {  	s1 =	srdreg.scid  }
0x8b: {  	s0 =	sand.u32 $0x1, s1  }
0x8c: {  	s17 =	sshll.u32 s0, $0xA;
	s2 =	sadd.s32 s3, s2  }
0x8d: {  	s2 =	sadd.s32 s2, s17  }
0x8e: {  	[smem:$0x3FC4] =	sst s2  }
0x8f: {  	_ = 	snop  }
0x90: {  	s2 =	sld [smem:$0x3FC9]  }
0x91: {  	s18 =	sld [smem:$0x3FC8]  }
0x92: {  	s4 =	sld [smem:$0x3FD0];
	(tm) =	ssettm $0x1  }
0x93: {  	s5 =	sld [smem:$0x3FFB];
	_ =	sdelay $0x3  }
0x94: {  	_ =	strace s5  }
0x95: {  	s5 =	sld [smem:$0x3FFC];
	_ =	sdelay $0x3  }
0x96: {  	_ =	strace s5  }
0x97: {  	s5 =	sld [smem:$0x3FFD];
	_ =	sdelay $0x3  }
0x98: {  	_ =	strace s5  }
0x99: {  	_ =	strace $0x8FFFFFFF  }
0x9a: {  	s19 =	sld [smem:$0x3FDB];
	_ =	sdelay $0x1  }
0x9b: {  	s6 =	simm.s32 $_scs_section_size  }
0x9c: {  	s7 =	simm.s32 $_size__tile_overlayer_lowered;
	s8 =	simm.s32 $_tile_overlayer_lowered  }
0x9d: {  	s22 =	simm.s32 $0x1BFF;
	s21 =	sshll.u32 s8, $0x1;
	s5 =	sadd.s32 s6, s19  }
0x9e: {  	s9 =	simm.s32 $0x0;
	s20 =	sshll.u32 s7, $0x1;
	s7 =	sadd.s32 s21, s5  }
0x9f: {  	[timem:s9], [sflag:s22] =	dma.local [hbm:s7], s20  }
0xa0: {  	_ =	swait.ge [sflag:s22], s20  }
0xa1: {  	s6 =	ssub.s32 $0x0, s20;
	[sflag:s22] =	ssyncset.done $0x0  }
0xa2: {  	[sflag:s22] =	ssyncadd.s32 s6;
	_ =	sdelay $0x1  }
0xa3: {  	s23 =	simm.s32 $0x1B8B  }
0xa4: {  	_ =	swait.ge [sflag:s23], $0x1  }
0xa5: {  	[sflag:s23] =	ssyncset.done $0x0  }
0xa6: {  	s25 =	simm.s32 $0x1B8E;
	s24 =	sld [smem:$0x3FFE];
	[sflag:s23] =	ssyncadd.s32 $0xFFFFFFFF  }
0xa7: {  	s26 =	simm.s32 $execute0_lowered;
	[smem:$0x3FD2] =	sst s25  }
0xa8: {  	s7 =	sshll.u32 s26, $0x1;
	_ =	strace $0x80000046;
	[dreg:$0x1] =	wrdreg $0xFFFFFFFF  }
0xa9: {  	s28 =	simm.s32 $_size_execute0_lowered;
	s5 =	sadd.s32 s5, s7;
	[dreg:$0x0] =	wrdreg $0x0  }
0xaa: {  	s7 =	sshll.u32 s28, $0x1;
	[dreg:$0x2] =	wrdreg s5  }
0xab: {  	[dreg:$0x3] =	wrdreg s7  }
0xac: {  	[dreg:$0x4] =	wrdreg $0xC0  }
0xad: {  	_ =	task [dreg:s9], $0x5FFFF  }
0xae: {  	[dreg:$0x1] =	wrdreg $0xFFFFFFFF  }
0xaf: {  	[dreg:$0x0] =	wrdreg $0x60  }
0xb0: {  	[dreg:$0x2] =	wrdreg s2  }
0xb1: {  	[dreg:$0x3] =	wrdreg s18  }
0xb2: {  	[dreg:$0x4] =	wrdreg s24  }
0xb3: {  	[dreg:$0x5] =	wrdreg s4  }
0xb4: {  	[dreg:$0x6] =	wrdreg $0x9  }
0xb5: {  	_ =	task.clear_ibuf [dreg:s9], $0x7FFFF;
	_ =	strace $0x90000046  }
0xb6: {  	s29 =	simm.s32 $0x9;
	_ =	strace $0x80000048  }
0xb7: {  	_ =	swait.ge [sflag:s29], $0x1  }
0xb8: {  	[sflag:s29] =	ssyncadd.s32 $0xFFFFFFFF  }
0xb9: {  	_ =	strace $0x90000048  }
0xba: {  	_ =	sfence  }
0xbb: {  	s30 =	sld [smem:$0x0];
	_ =	sdelay $0x2  }
0xbc: {  	s31 =	sshll.u32 s1, $0xD;
	s1 =	sshrl.u32 s1, $0x2  }
0xbd: {  	s3 =	sand.u32 $0x4000, s31;
	s1 =	sadd.s32 s1, s30  }
0xbe: {  	s0 =	sor.u32 s3, s0;
	s1 =	sshll.u32 s1, $0x11  }
0xbf: {  	s0 =	sor.u32 s1, s0  }
0xc0: {  	s0 =	sadd.s32 $0x8F2B, s0  }
0xc1: {  	[sflag:s0] =	ssyncadd.remote.s32 $0x1  }
0xc2: {  	_ =	sfence.sel $0xFFFF  }
0xc3: {  	[dreg:$0x0] =	wrdreg $0xFFFFFFFF;
	(pc) =	sbr.abs _section_cstart, $3  }
0xc4: {  	[dreg:$0x1] =	wrdreg $0xFFFFFFFF  }
0xc5: {  	_ =	task.clear_ibuf [dreg:s9], $0x2FFFF;
	_ =	strace $0x9FFFFFFF  }
0xc6: {  	(tm) =	ssettm $0x7FFFFFFF  }
0xc7: {  	_ =	shalt  }
tec
execute0_lowered:
.L_overlay_start_1:
0x0: {  	(tag) =	ssettag $0x1  }
0x1: {  	s0 =	rddreg [dreg:$0x0]  }
0x2: {  	s2 =	rddreg [dreg:$0x1]  }
0x3: {  	s4 =	rddreg [dreg:$0x2]  }
0x4: {  	s7 =	rddreg [dreg:$0x3];
	s1 =	simm.s32 $0x0  }
0x5: {  	s3 =	srdreg.scid;
	s9 =	stileid.u32;
	s10 =	simm.s32 $0x200  }
0x6: {  	s11 =	simm.s32 $0x80;
	s13 =	simm.s32 $0x8400;
	s14 =	simm.s32 $0x2400  }
0x7: {  	s15 =	simm.s32 $0x280;
	s16 =	simm.s32 $0xA400;
	s17 =	simm.s32 $0x100  }
0x8: {  	s18 =	simm.s32 $0x4400;
	s19 =	simm.s32 $0x300;
	s20 =	simm.s32 $0xC400  }
0x9: {  	v0 =	vlaneseq.u32;
	s21 =	simm.s32 $0x180;
	s22 =	simm.s32 $0x6400;
	s23 =	simm.s32 $0x380  }
0xa: {  	s24 =	simm.s32 $0xE400;
	s25 =	simm.s32 $0x1;
	s26 =	simm.s32 $0x10600;
	v0 =	vmul.u32 $0x10, v0  }
0xb: {  	s28 =	simm.s32 $0x10400;
	s29 =	simm.s32 $0x0;
	[smem:$0x7FF] =	sst s1  }
0xc: {  	s5 =	sand.u32 $0x1, s3;
	s3 =	sadd.s32 $0xF42800, s4;
	s9 =	sshll.u32 s9, $0x7;
	v1 =	vor.u32 $0x1, v0;
	v2 =	vor.u32 $0x2, v0;
	v3 =	vor.u32 $0x3, v0  }
0xd: {  	s4 =	sadd.s32 $0x16E3A00, s4;
	s6 =	ssub.s32 $0x2, s5;
	s5 =	sshll.u32 s5, $0x6;
	v4 =	vor.u32 $0x4, v0;
	v5 =	vor.u32 $0x5, v0;
	v6 =	vor.u32 $0x6, v0  }
0xe: {  	_ =	strace $0x80000047;
	s8 =	sshrl.u32 s6, $0x1;
	s9 =	sor.u32 s5, s9;
	v7 =	vor.u32 $0x7, v0;
	v8 =	vor.u32 $0x8, v0;
	v9 =	vor.u32 $0x9, v0  }
0xf: {  	v10 =	vor.u32 $0xA, v0;
	v11 =	vor.u32 $0xB, v0;
	v12 =	vor.u32 $0xC, v0;
	s8 =	ssub.s32 s6, s8;
	s5 =	sadd.s32 s0, s9;
	s6 =	sadd.s32 s2, s9  }
0x10: {  	v13 =	vor.u32 $0xD, v0;
	v14 =	vor.u32 $0xE, v0;
	v15 =	vor.u32 $0xF, v0;
	s7 =	sadd.s32 s7, s9;
	s9 =	simm.s32 $0x2;
	s8 =	smax.u32 s8, $0x1  }
.LBB2_1:
0x11: {  	[tilespmem:s1], [sflag:$0x2] =	stream.linear.gather [hbm4b:s5+s1], $0x200, $0x38;
	[tilespmem:$0x10700] =	vst v63  }
0x12: {  	_ =	swait.ge [sflag:s9], $0x200  }
0x13: {  	[sflag:s9] =	ssyncset.done $0x0  }
0x14: {  	[sflag:s9] =	ssyncadd.s32 $0xFFFFFE00  }
0x15: {  	[tilespmem:s10], [sflag:$0x2] =	stream.linear.gather [hbm4b:s6+s1], $0x200, $0x38;
	[tilespmem:$0x10700] =	vst v63  }
0x16: {  	_ =	swait.ge [sflag:s9], $0x200  }
0x17: {  	[sflag:s9] =	ssyncset.done $0x0  }
0x18: {  	s0 =	simm.s32 $0x400;
	[sflag:s9] =	ssyncadd.s32 $0xFFFFFE00  }
0x19: {  	[tilespmem:s0], [sflag:$0x1] =	stream.indirect.gather [hbm4b:s3+s11], $0x40, s1, s11, $0xb8;
	[tilespmem:$0x10700] =	vst v63  }
0x1a: {  	_ = 	snop  }
0x1b: {  	[tilespmem:s13], [sflag:$0x1] =	stream.indirect.gather [hbm4b:s4+s11], $0x40, s10, s11, $0xb8;
	[tilespmem:$0x10700] =	vst v63  }
0x1c: {  	_ = 	snop  }
0x1d: {  	[tilespmem:s14], [sflag:$0x1] =	stream.indirect.gather [hbm4b:s3+s11], $0x40, s11, s11, $0xb8;
	[tilespmem:$0x10700] =	vst v63  }
0x1e: {  	_ = 	snop  }
0x1f: {  	[tilespmem:s16], [sflag:$0x1] =	stream.indirect.gather [hbm4b:s4+s11], $0x40, s15, s11, $0xb8;
	[tilespmem:$0x10700] =	vst v63  }
0x20: {  	_ = 	snop  }
0x21: {  	[tilespmem:s18], [sflag:$0x1] =	stream.indirect.gather [hbm4b:s3+s11], $0x40, s17, s11, $0xb8;
	[tilespmem:$0x10700] =	vst v63  }
0x22: {  	_ = 	snop  }
0x23: {  	[tilespmem:s20], [sflag:$0x1] =	stream.indirect.gather [hbm4b:s4+s11], $0x40, s19, s11, $0xb8;
	[tilespmem:$0x10700] =	vst v63  }
0x24: {  	_ = 	snop  }
0x25: {  	[tilespmem:s22], [sflag:$0x1] =	stream.indirect.gather [hbm4b:s3+s11], $0x40, s21, s11, $0xb8;
	[tilespmem:$0x10700] =	vst v63  }
0x26: {  	_ = 	snop  }
0x27: {  	[tilespmem:s24], [sflag:$0x1] =	stream.indirect.gather [hbm4b:s4+s11], $0x40, s23, s11, $0xb8;
	[tilespmem:$0x10700] =	vst v63  }
0x28: {  	_ =	swait.ge [sflag:s25], $0x2000  }
0x29: {  	[sflag:s25] =	ssyncset.done $0x0  }
0x2a: {  	[sflag:s25] =	ssyncadd.s32 $0xFFFFE000  }
0x2b: {  	_ =	swait.ge [sflag:s25], $0x2000  }
0x2c: {  	[sflag:s25] =	ssyncset.done $0x0  }
0x2d: {  	[sflag:s25] =	ssyncadd.s32 $0xFFFFE000  }
0x2e: {  	_ =	swait.ge [sflag:s25], $0x2000  }
0x2f: {  	[sflag:s25] =	ssyncset.done $0x0  }
0x30: {  	[sflag:s25] =	ssyncadd.s32 $0xFFFFE000  }
0x31: {  	_ =	swait.ge [sflag:s25], $0x2000  }
0x32: {  	[sflag:s25] =	ssyncset.done $0x0  }
0x33: {  	[sflag:s25] =	ssyncadd.s32 $0xFFFFE000  }
0x34: {  	_ =	swait.ge [sflag:s25], $0x2000  }
0x35: {  	[sflag:s25] =	ssyncset.done $0x0  }
0x36: {  	[sflag:s25] =	ssyncadd.s32 $0xFFFFE000  }
0x37: {  	_ =	swait.ge [sflag:s25], $0x2000  }
0x38: {  	[sflag:s25] =	ssyncset.done $0x0  }
0x39: {  	[sflag:s25] =	ssyncadd.s32 $0xFFFFE000  }
0x3a: {  	_ =	swait.ge [sflag:s25], $0x2000  }
0x3b: {  	[sflag:s25] =	ssyncset.done $0x0  }
0x3c: {  	[sflag:s25] =	ssyncadd.s32 $0xFFFFE000  }
0x3d: {  	_ =	swait.ge [sflag:s25], $0x2000  }
0x3e: {  	[sflag:s25] =	ssyncset.done $0x0  }
0x3f: {  	s30 =	simm.s32 $0x0;
	[sflag:s25] =	ssyncadd.s32 $0xFFFFE000  }
0x40: {  	v16 =	vld [tilespmem:s30+$0x8410]  }
0x41: {  	v17 =	vld [tilespmem:s30+$0x400]  }
0x42: {  	v18 =	vld [tilespmem:s30+$0x410]  }
0x43: {  	v19 =	vld [tilespmem:s30+$0x8400]  }
0x44: {  	v20 =	vld [tilespmem:s30+$0x8420]  }
0x45: {  	v21 =	vld [tilespmem:s30+$0x420]  }
0x46: {  	v22 =	vld [tilespmem:s30+$0x8430]  }
0x47: {  	v23 =	vld [tilespmem:s30+$0x430]  }
0x48: {  	v16 =	vmul.f32 v16, v18;
	v17 =	vmul.f32 v19, v17;
	_ =	sdelay $0x1  }
0x49: {  	v16 =	vadd.f32 v16, v17;
	v17 =	vmul.f32 v20, v21;
	_ =	sdelay $0x1  }
0x4a: {  	v16 =	vadd.f32 v17, v16;
	v17 =	vmul.f32 v22, v23;
	_ =	sdelay $0x1  }
0x4b: {  	v16 =	vadd.f32 v17, v16;
	_ =	sdelay $0x1  }
0x4c: {  	[tilespmem:$0x10600] =	vst v16  }
0x4d: {  	v16 =	vld [tilespmem:s30+$0x440]  }
0x4e: {  	v17 =	vld [tilespmem:s30+$0x8440]  }
0x4f: {  	v18 =	vld [tilespmem:s30+$0x450]  }
0x50: {  	v19 =	vld [tilespmem:s30+$0x8450]  }
0x51: {  	v20 =	vld [tilespmem:s30+$0x8460]  }
0x52: {  	v21 =	vld [tilespmem:s30+$0x460]  }
0x53: {  	v22 =	vld [tilespmem:s30+$0x8470]  }
0x54: {  	v23 =	vld [tilespmem:s30+$0x470]  }
0x55: {  	v16 =	vmul.f32 v17, v16;
	v17 =	vmul.f32 v19, v18;
	_ =	sdelay $0x1  }
0x56: {  	v16 =	vadd.f32 v17, v16;
	v17 =	vmul.f32 v20, v21;
	_ =	sdelay $0x1  }
0x57: {  	v16 =	vadd.f32 v17, v16;
	v17 =	vmul.f32 v22, v23;
	_ =	sdelay $0x1  }
0x58: {  	v16 =	vadd.f32 v17, v16;
	_ =	sdelay $0x1  }
0x59: {  	[tilespmem:$0x10610] =	vst v16  }
0x5a: {  	v16 =	vld [tilespmem:s30+$0x8490]  }
0x5b: {  	v17 =	vld [tilespmem:s30+$0x480]  }
0x5c: {  	v18 =	vld [tilespmem:s30+$0x8480]  }
0x5d: {  	v19 =	vld [tilespmem:s30+$0x490]  }
0x5e: {  	v20 =	vld [tilespmem:s30+$0x84A0]  }
0x5f: {  	v21 =	vld [tilespmem:s30+$0x4A0]  }
0x60: {  	v22 =	vld [tilespmem:s30+$0x84B0]  }
0x61: {  	v23 =	vld [tilespmem:s30+$0x4B0]  }
0x62: {  	v17 =	vmul.f32 v18, v17;
	v16 =	vmul.f32 v16, v19;
	_ =	sdelay $0x1  }
0x63: {  	v16 =	vadd.f32 v16, v17;
	v17 =	vmul.f32 v20, v21;
	_ =	sdelay $0x1  }
0x64: {  	v16 =	vadd.f32 v17, v16;
	v17 =	vmul.f32 v22, v23;
	_ =	sdelay $0x1  }
0x65: {  	v16 =	vadd.f32 v17, v16;
	_ =	sdelay $0x1  }
0x66: {  	[tilespmem:$0x10620] =	vst v16  }
0x67: {  	v16 =	vld [tilespmem:s30+$0x84D0]  }
0x68: {  	v17 =	vld [tilespmem:s30+$0x4C0]  }
0x69: {  	v18 =	vld [tilespmem:s30+$0x84C0]  }
0x6a: {  	v19 =	vld [tilespmem:s30+$0x4D0]  }
0x6b: {  	v20 =	vld [tilespmem:s30+$0x4E0]  }
0x6c: {  	v21 =	vld [tilespmem:s30+$0x84E0]  }
0x6d: {  	v22 =	vld [tilespmem:s30+$0x84F0]  }
0x6e: {  	v23 =	vld [tilespmem:s30+$0x4F0]  }
0x6f: {  	v17 =	vmul.f32 v18, v17;
	v16 =	vmul.f32 v16, v19;
	_ =	sdelay $0x1  }
0x70: {  	v16 =	vadd.f32 v16, v17;
	v17 =	vmul.f32 v21, v20;
	_ =	sdelay $0x1  }
0x71: {  	v16 =	vadd.f32 v17, v16;
	v17 =	vmul.f32 v22, v23;
	_ =	sdelay $0x1  }
0x72: {  	v16 =	vadd.f32 v17, v16;
	_ =	sdelay $0x1  }
0x73: {  	[tilespmem:$0x10630] =	vst v16  }
0x74: {  	v16 =	vld [tilespmem:s30+$0x8500]  }
0x75: {  	v17 =	vld [tilespmem:s30+$0x8510]  }
0x76: {  	v18 =	vld [tilespmem:s30+$0x500]  }
0x77: {  	v19 =	vld [tilespmem:s30+$0x510]  }
0x78: {  	v20 =	vld [tilespmem:s30+$0x520]  }
0x79: {  	v21 =	vld [tilespmem:s30+$0x8520]  }
0x7a: {  	v22 =	vld [tilespmem:s30+$0x8530]  }
0x7b: {  	v23 =	vld [tilespmem:s30+$0x530]  }
0x7c: {  	v16 =	vmul.f32 v16, v18;
	v17 =	vmul.f32 v17, v19;
	_ =	sdelay $0x1  }
0x7d: {  	v16 =	vadd.f32 v17, v16;
	v17 =	vmul.f32 v21, v20;
	_ =	sdelay $0x1  }
0x7e: {  	v16 =	vadd.f32 v17, v16;
	v17 =	vmul.f32 v22, v23;
	_ =	sdelay $0x1  }
0x7f: {  	v16 =	vadd.f32 v17, v16;
	_ =	sdelay $0x1  }
0x80: {  	[tilespmem:$0x10640] =	vst v16  }
0x81: {  	v16 =	vld [tilespmem:s30+$0x8540]  }
0x82: {  	v17 =	vld [tilespmem:s30+$0x8550]  }
0x83: {  	v18 =	vld [tilespmem:s30+$0x540]  }
0x84: {  	v19 =	vld [tilespmem:s30+$0x550]  }
0x85: {  	v20 =	vld [tilespmem:s30+$0x560]  }
0x86: {  	v21 =	vld [tilespmem:s30+$0x8560]  }
0x87: {  	v22 =	vld [tilespmem:s30+$0x8570]  }
0x88: {  	v23 =	vld [tilespmem:s30+$0x570]  }
0x89: {  	v16 =	vmul.f32 v16, v18;
	v17 =	vmul.f32 v17, v19;
	_ =	sdelay $0x1  }
0x8a: {  	v16 =	vadd.f32 v17, v16;
	v17 =	vmul.f32 v21, v20;
	_ =	sdelay $0x1  }
0x8b: {  	v16 =	vadd.f32 v17, v16;
	v17 =	vmul.f32 v22, v23;
	_ =	sdelay $0x1  }
0x8c: {  	v16 =	vadd.f32 v17, v16;
	_ =	sdelay $0x1  }
0x8d: {  	[tilespmem:$0x10650] =	vst v16  }
0x8e: {  	v16 =	vld [tilespmem:s30+$0x8580]  }
0x8f: {  	v17 =	vld [tilespmem:s30+$0x8590]  }
0x90: {  	v18 =	vld [tilespmem:s30+$0x590]  }
0x91: {  	v19 =	vld [tilespmem:s30+$0x580]  }
0x92: {  	v20 =	vld [tilespmem:s30+$0x85A0]  }
0x93: {  	v21 =	vld [tilespmem:s30+$0x5A0]  }
0x94: {  	v22 =	vld [tilespmem:s30+$0x85B0]  }
0x95: {  	v23 =	vld [tilespmem:s30+$0x5B0]  }
0x96: {  	v17 =	vmul.f32 v17, v18;
	v16 =	vmul.f32 v16, v19;
	_ =	sdelay $0x1  }
0x97: {  	v16 =	vadd.f32 v17, v16;
	v17 =	vmul.f32 v20, v21;
	_ =	sdelay $0x1  }
0x98: {  	v16 =	vadd.f32 v17, v16;
	v17 =	vmul.f32 v22, v23;
	_ =	sdelay $0x1  }
0x99: {  	v16 =	vadd.f32 v17, v16;
	_ =	sdelay $0x1  }
0x9a: {  	[tilespmem:$0x10660] =	vst v16  }
0x9b: {  	v16 =	vld [tilespmem:s30+$0x5C0]  }
0x9c: {  	v17 =	vld [tilespmem:s30+$0x85C0]  }
0x9d: {  	v18 =	vld [tilespmem:s30+$0x85D0]  }
0x9e: {  	v19 =	vld [tilespmem:s30+$0x5D0]  }
0x9f: {  	v20 =	vld [tilespmem:s30+$0x85E0]  }
0xa0: {  	v21 =	vld [tilespmem:s30+$0x5E0]  }
0xa1: {  	v22 =	vld [tilespmem:s30+$0x85F0]  }
0xa2: {  	v23 =	vld [tilespmem:s30+$0x5F0]  }
0xa3: {  	v16 =	vmul.f32 v17, v16;
	v17 =	vmul.f32 v18, v19;
	_ =	sdelay $0x1  }
0xa4: {  	v16 =	vadd.f32 v17, v16;
	v17 =	vmul.f32 v20, v21;
	_ =	sdelay $0x1  }
0xa5: {  	v16 =	vadd.f32 v17, v16;
	v17 =	vmul.f32 v22, v23;
	_ =	sdelay $0x1  }
0xa6: {  	v16 =	vadd.f32 v17, v16;
	_ =	sdelay $0x1  }
0xa7: {  	[tilespmem:$0x10670] =	vst v16  }
0xa8: {  	v16 =	vld [tilespmem:s30+$0x8600]  }
0xa9: {  	v17 =	vld [tilespmem:s30+$0x8610]  }
0xaa: {  	v18 =	vld [tilespmem:s30+$0x600]  }
0xab: {  	v19 =	vld [tilespmem:s30+$0x610]  }
0xac: {  	v20 =	vld [tilespmem:s30+$0x8620]  }
0xad: {  	v21 =	vld [tilespmem:s30+$0x620]  }
0xae: {  	v22 =	vld [tilespmem:s30+$0x8630]  }
0xaf: {  	v23 =	vld [tilespmem:s30+$0x630]  }
0xb0: {  	v16 =	vmul.f32 v16, v18;
	v17 =	vmul.f32 v17, v19;
	_ =	sdelay $0x1  }
0xb1: {  	v16 =	vadd.f32 v17, v16;
	v17 =	vmul.f32 v20, v21;
	_ =	sdelay $0x1  }
0xb2: {  	v16 =	vadd.f32 v17, v16;
	v17 =	vmul.f32 v22, v23;
	_ =	sdelay $0x1  }
0xb3: {  	v16 =	vadd.f32 v17, v16;
	_ =	sdelay $0x1  }
0xb4: {  	[tilespmem:$0x10680] =	vst v16  }
0xb5: {  	v16 =	vld [tilespmem:s30+$0x8640]  }
0xb6: {  	v17 =	vld [tilespmem:s30+$0x8650]  }
0xb7: {  	v18 =	vld [tilespmem:s30+$0x650]  }
0xb8: {  	v19 =	vld [tilespmem:s30+$0x640]  }
0xb9: {  	v20 =	vld [tilespmem:s30+$0x660]  }
0xba: {  	v21 =	vld [tilespmem:s30+$0x8660]  }
0xbb: {  	v22 =	vld [tilespmem:s30+$0x670]  }
0xbc: {  	v23 =	vld [tilespmem:s30+$0x8670]  }
0xbd: {  	v17 =	vmul.f32 v17, v18;
	v16 =	vmul.f32 v16, v19;
	_ =	sdelay $0x1  }
0xbe: {  	v16 =	vadd.f32 v17, v16;
	v17 =	vmul.f32 v21, v20;
	_ =	sdelay $0x1  }
0xbf: {  	v16 =	vadd.f32 v17, v16;
	v17 =	vmul.f32 v23, v22;
	_ =	sdelay $0x1  }
0xc0: {  	v16 =	vadd.f32 v17, v16;
	_ =	sdelay $0x1  }
0xc1: {  	[tilespmem:$0x10690] =	vst v16  }
0xc2: {  	v16 =	vld [tilespmem:s30+$0x8690]  }
0xc3: {  	v17 =	vld [tilespmem:s30+$0x8680]  }
0xc4: {  	v18 =	vld [tilespmem:s30+$0x680]  }
0xc5: {  	v19 =	vld [tilespmem:s30+$0x690]  }
0xc6: {  	v20 =	vld [tilespmem:s30+$0x6A0]  }
0xc7: {  	v21 =	vld [tilespmem:s30+$0x86A0]  }
0xc8: {  	v22 =	vld [tilespmem:s30+$0x6B0]  }
0xc9: {  	v23 =	vld [tilespmem:s30+$0x86B0]  }
0xca: {  	v17 =	vmul.f32 v17, v18;
	v16 =	vmul.f32 v16, v19;
	_ =	sdelay $0x1  }
0xcb: {  	v16 =	vadd.f32 v16, v17;
	v17 =	vmul.f32 v21, v20;
	_ =	sdelay $0x1  }
0xcc: {  	v16 =	vadd.f32 v17, v16;
	v17 =	vmul.f32 v23, v22;
	_ =	sdelay $0x1  }
0xcd: {  	v16 =	vadd.f32 v17, v16;
	_ =	sdelay $0x1  }
0xce: {  	[tilespmem:$0x106A0] =	vst v16  }
0xcf: {  	v16 =	vld [tilespmem:s30+$0x86C0]  }
0xd0: {  	v17 =	vld [tilespmem:s30+$0x86D0]  }
0xd1: {  	v18 =	vld [tilespmem:s30+$0x6C0]  }
0xd2: {  	v19 =	vld [tilespmem:s30+$0x6D0]  }
0xd3: {  	v20 =	vld [tilespmem:s30+$0x6E0]  }
0xd4: {  	v21 =	vld [tilespmem:s30+$0x86E0]  }
0xd5: {  	v22 =	vld [tilespmem:s30+$0x6F0]  }
0xd6: {  	v23 =	vld [tilespmem:s30+$0x86F0]  }
0xd7: {  	v16 =	vmul.f32 v16, v18;
	v17 =	vmul.f32 v17, v19;
	_ =	sdelay $0x1  }
0xd8: {  	v16 =	vadd.f32 v17, v16;
	v17 =	vmul.f32 v21, v20;
	_ =	sdelay $0x1  }
0xd9: {  	v16 =	vadd.f32 v17, v16;
	v17 =	vmul.f32 v23, v22;
	_ =	sdelay $0x1  }
0xda: {  	v16 =	vadd.f32 v17, v16;
	_ =	sdelay $0x1  }
0xdb: {  	[tilespmem:$0x106B0] =	vst v16  }
0xdc: {  	v16 =	vld [tilespmem:s30+$0x8700]  }
0xdd: {  	v17 =	vld [tilespmem:s30+$0x8710]  }
0xde: {  	v18 =	vld [tilespmem:s30+$0x700]  }
0xdf: {  	v19 =	vld [tilespmem:s30+$0x710]  }
0xe0: {  	v20 =	vld [tilespmem:s30+$0x720]  }
0xe1: {  	v21 =	vld [tilespmem:s30+$0x8720]  }
0xe2: {  	v22 =	vld [tilespmem:s30+$0x730]  }
0xe3: {  	v23 =	vld [tilespmem:s30+$0x8730]  }
0xe4: {  	v16 =	vmul.f32 v16, v18;
	v17 =	vmul.f32 v17, v19;
	_ =	sdelay $0x1  }
0xe5: {  	v16 =	vadd.f32 v17, v16;
	v17 =	vmul.f32 v21, v20;
	_ =	sdelay $0x1  }
0xe6: {  	v16 =	vadd.f32 v17, v16;
	v17 =	vmul.f32 v23, v22;
	_ =	sdelay $0x1  }
0xe7: {  	v16 =	vadd.f32 v17, v16;
	_ =	sdelay $0x1  }
0xe8: {  	[tilespmem:$0x106C0] =	vst v16  }
0xe9: {  	v16 =	vld [tilespmem:s30+$0x8740]  }
0xea: {  	v17 =	vld [tilespmem:s30+$0x8750]  }
0xeb: {  	v18 =	vld [tilespmem:s30+$0x740]  }
0xec: {  	v19 =	vld [tilespmem:s30+$0x750]  }
0xed: {  	v20 =	vld [tilespmem:s30+$0x760]  }
0xee: {  	v21 =	vld [tilespmem:s30+$0x8760]  }
0xef: {  	v22 =	vld [tilespmem:s30+$0x770]  }
0xf0: {  	v23 =	vld [tilespmem:s30+$0x8770]  }
0xf1: {  	v16 =	vmul.f32 v16, v18;
	v17 =	vmul.f32 v17, v19;
	_ =	sdelay $0x1  }
0xf2: {  	v16 =	vadd.f32 v17, v16;
	v17 =	vmul.f32 v21, v20;
	_ =	sdelay $0x1  }
0xf3: {  	v16 =	vadd.f32 v17, v16;
	v17 =	vmul.f32 v23, v22;
	_ =	sdelay $0x1  }
0xf4: {  	v16 =	vadd.f32 v17, v16;
	_ =	sdelay $0x1  }
0xf5: {  	[tilespmem:$0x106D0] =	vst v16  }
0xf6: {  	v16 =	vld [tilespmem:s30+$0x8780]  }
0xf7: {  	v17 =	vld [tilespmem:s30+$0x8790]  }
0xf8: {  	v18 =	vld [tilespmem:s30+$0x780]  }
0xf9: {  	v19 =	vld [tilespmem:s30+$0x790]  }
0xfa: {  	v20 =	vld [tilespmem:s30+$0x7A0]  }
0xfb: {  	v21 =	vld [tilespmem:s30+$0x87A0]  }
0xfc: {  	v22 =	vld [tilespmem:s30+$0x7B0]  }
0xfd: {  	v23 =	vld [tilespmem:s30+$0x87B0]  }
0xfe: {  	v16 =	vmul.f32 v16, v18;
	v17 =	vmul.f32 v17, v19;
	_ =	sdelay $0x1  }
0xff: {  	v16 =	vadd.f32 v17, v16;
	v17 =	vmul.f32 v21, v20;
	_ =	sdelay $0x1  }
0x100: {  	v16 =	vadd.f32 v17, v16;
	v17 =	vmul.f32 v23, v22;
	_ =	sdelay $0x1  }
0x101: {  	v16 =	vadd.f32 v17, v16;
	_ =	sdelay $0x1  }
0x102: {  	[tilespmem:$0x106E0] =	vst v16  }
0x103: {  	v16 =	vld [tilespmem:s30+$0x87C0]  }
0x104: {  	v19 =	vld [tilespmem:s30+$0x7C0]  }
0x105: {  	v17 =	vld [tilespmem:s30+$0x87D0]  }
0x106: {  	v20 =	vld [tilespmem:s30+$0x7D0]  }
0x107: {  	s2 =	simm.s32 $0x10400;
	s31 =	simm.s32 $0x10400;
	s0 =	simm.s32 $0x1000;
	v18 =	vld [tilespmem:s30+$0x7E0]  }
.LBB2_2:
0x108: {  	p0 =	sne.s32 s0, $0x1F000  }
0x109: {  	v21 =	vld [tilespmem:s30+$0x87E0];
	s2 =	sadd.s32 $0x10, s2;
	s12 =	smov.u32 s0;
	s0 =	sadd.s32 $0x1000, s0  }
0x10a: {  	v16 =	vmul.f32 v16, v19;
	v19 =	vld [tilespmem:s30+$0x7F0]  }
0x10b: {  	v22 =	vld [tilespmem:s30+$0x87F0]  }
0x10c: {  	v17 =	vmul.f32 v17, v20;
	_ =	sdelay $0x1  }
0x10d: {  	v16 =	vadd.f32 v17, v16;
	v17 =	vmul.f32 v21, v18;
	_ =	sdelay $0x1  }
0x10e: {  	v16 =	vadd.f32 v17, v16;
	v17 =	vmul.f32 v22, v19;
	_ =	sdelay $0x1  }
0x10f: {  	v16 =	vadd.f32 v17, v16;
	_ =	sdelay $0x1  }
0x110: {  	[tilespmem:$0x106F0] =	vst v16  }
0x111: {  	v16 =	vld.idx.msk [tilespmem:v0+s26+$0x0], $0xffff  }
0x112: {  	v17 =	vld.idx.msk [tilespmem:v1+s26+$0x0], $0xffff  }
0x113: {  	v18 =	vld.idx.msk [tilespmem:v2+s26+$0x0], $0xffff  }
0x114: {  	v19 =	vld.idx.msk [tilespmem:v3+s26+$0x0], $0xffff  }
0x115: {  	v20 =	vld.idx.msk [tilespmem:v4+s26+$0x0], $0xffff  }
0x116: {  	v21 =	vld.idx.msk [tilespmem:v5+s26+$0x0], $0xffff  }
0x117: {  	v22 =	vld.idx.msk [tilespmem:v6+s26+$0x0], $0xffff  }
0x118: {  	v16 =	vadd.f32 v17, v16;
	v17 =	vld.idx.msk [tilespmem:v7+s26+$0x0], $0xffff  }
0x119: {  	v23 =	vld.idx.msk [tilespmem:v8+s26+$0x0], $0xffff  }
0x11a: {  	v16 =	vadd.f32 v18, v16;
	v18 =	vld.idx.msk [tilespmem:v9+s26+$0x0], $0xffff  }
0x11b: {  	v24 =	vld.idx.msk [tilespmem:v10+s26+$0x0], $0xffff  }
0x11c: {  	v16 =	vadd.f32 v19, v16;
	v19 =	vld.idx.msk [tilespmem:v11+s26+$0x0], $0xffff  }
0x11d: {  	v25 =	vld.idx.msk [tilespmem:v12+s26+$0x0], $0xffff  }
0x11e: {  	v16 =	vadd.f32 v20, v16;
	v20 =	vld.idx.msk [tilespmem:v13+s26+$0x0], $0xffff  }
0x11f: {  	v26 =	vld.idx.msk [tilespmem:v14+s26+$0x0], $0xffff  }
0x120: {  	v16 =	vadd.f32 v21, v16;
	v21 =	vld.idx.msk [tilespmem:v15+s26+$0x0], $0xffff;
	_ =	sdelay $0x1  }
0x121: {  	v16 =	vadd.f32 v22, v16;
	_ =	sdelay $0x1  }
0x122: {  	v16 =	vadd.f32 v17, v16;
	_ =	sdelay $0x1  }
0x123: {  	v16 =	vadd.f32 v23, v16;
	_ =	sdelay $0x1  }
0x124: {  	v16 =	vadd.f32 v18, v16;
	_ =	sdelay $0x1  }
0x125: {  	v16 =	vadd.f32 v24, v16;
	_ =	sdelay $0x1  }
0x126: {  	v16 =	vadd.f32 v19, v16;
	_ =	sdelay $0x1  }
0x127: {  	v16 =	vadd.f32 v25, v16;
	_ =	sdelay $0x1  }
0x128: {  	v16 =	vadd.f32 v20, v16;
	_ =	sdelay $0x1  }
0x129: {  	v16 =	vadd.f32 v26, v16;
	_ =	sdelay $0x1  }
0x12a: {  	v16 =	vadd.f32 v21, v16;
	_ =	sdelay $0x1  }
0x12b: {  	s30 =	sshra.s32 s12, $0x2;
	[tilespmem:s31+$0x0] =	vst v16;
	s31 =	smov.u32 s2  }
0x12c: {  	v16 =	vld [tilespmem:s30+$0x8410]  }
0x12d: {  	v17 =	vld [tilespmem:s30+$0x400]  }
0x12e: {  	v18 =	vld [tilespmem:s30+$0x410]  }
0x12f: {  	v19 =	vld [tilespmem:s30+$0x8400]  }
0x130: {  	v20 =	vld [tilespmem:s30+$0x8420]  }
0x131: {  	v21 =	vld [tilespmem:s30+$0x420]  }
0x132: {  	v22 =	vld [tilespmem:s30+$0x8430]  }
0x133: {  	v16 =	vmul.f32 v16, v18;
	v18 =	vld [tilespmem:s30+$0x430]  }
0x134: {  	v17 =	vmul.f32 v19, v17;
	_ =	sdelay $0x1  }
0x135: {  	v16 =	vadd.f32 v16, v17;
	v17 =	vmul.f32 v20, v21;
	_ =	sdelay $0x1  }
0x136: {  	v16 =	vadd.f32 v17, v16;
	v17 =	vmul.f32 v22, v18;
	_ =	sdelay $0x1  }
0x137: {  	v16 =	vadd.f32 v17, v16;
	_ =	sdelay $0x1  }
0x138: {  	[tilespmem:$0x10600] =	vst v16  }
0x139: {  	v16 =	vld [tilespmem:s30+$0x440]  }
0x13a: {  	v17 =	vld [tilespmem:s30+$0x8440]  }
0x13b: {  	v18 =	vld [tilespmem:s30+$0x450]  }
0x13c: {  	v19 =	vld [tilespmem:s30+$0x8450]  }
0x13d: {  	v20 =	vld [tilespmem:s30+$0x8460]  }
0x13e: {  	v21 =	vld [tilespmem:s30+$0x460]  }
0x13f: {  	v16 =	vmul.f32 v17, v16;
	v17 =	vld [tilespmem:s30+$0x8470]  }
0x140: {  	v22 =	vld [tilespmem:s30+$0x470]  }
0x141: {  	v18 =	vmul.f32 v19, v18;
	_ =	sdelay $0x1  }
0x142: {  	v16 =	vadd.f32 v18, v16;
	v18 =	vmul.f32 v20, v21;
	_ =	sdelay $0x1  }
0x143: {  	v16 =	vadd.f32 v18, v16;
	v17 =	vmul.f32 v17, v22;
	_ =	sdelay $0x1  }
0x144: {  	v16 =	vadd.f32 v17, v16;
	_ =	sdelay $0x1  }
0x145: {  	[tilespmem:$0x10610] =	vst v16  }
0x146: {  	v16 =	vld [tilespmem:s30+$0x8490]  }
0x147: {  	v17 =	vld [tilespmem:s30+$0x480]  }
0x148: {  	v18 =	vld [tilespmem:s30+$0x8480]  }
0x149: {  	v19 =	vld [tilespmem:s30+$0x490]  }
0x14a: {  	v20 =	vld [tilespmem:s30+$0x84A0]  }
0x14b: {  	v21 =	vld [tilespmem:s30+$0x4A0]  }
0x14c: {  	v22 =	vld [tilespmem:s30+$0x84B0]  }
0x14d: {  	v17 =	vmul.f32 v18, v17;
	v18 =	vld [tilespmem:s30+$0x4B0]  }
0x14e: {  	v16 =	vmul.f32 v16, v19;
	_ =	sdelay $0x1  }
0x14f: {  	v16 =	vadd.f32 v16, v17;
	v17 =	vmul.f32 v20, v21;
	_ =	sdelay $0x1  }
0x150: {  	v16 =	vadd.f32 v17, v16;
	v17 =	vmul.f32 v22, v18;
	_ =	sdelay $0x1  }
0x151: {  	v16 =	vadd.f32 v17, v16;
	_ =	sdelay $0x1  }
0x152: {  	[tilespmem:$0x10620] =	vst v16  }
0x153: {  	v16 =	vld [tilespmem:s30+$0x84D0]  }
0x154: {  	v17 =	vld [tilespmem:s30+$0x4C0]  }
0x155: {  	v18 =	vld [tilespmem:s30+$0x84C0]  }
0x156: {  	v19 =	vld [tilespmem:s30+$0x4D0]  }
0x157: {  	v20 =	vld [tilespmem:s30+$0x4E0]  }
0x158: {  	v21 =	vld [tilespmem:s30+$0x84E0]  }
0x159: {  	v22 =	vld [tilespmem:s30+$0x84F0]  }
0x15a: {  	v17 =	vmul.f32 v18, v17;
	v18 =	vld [tilespmem:s30+$0x4F0]  }
0x15b: {  	v16 =	vmul.f32 v16, v19;
	_ =	sdelay $0x1  }
0x15c: {  	v16 =	vadd.f32 v16, v17;
	v17 =	vmul.f32 v21, v20;
	_ =	sdelay $0x1  }
0x15d: {  	v16 =	vadd.f32 v17, v16;
	v17 =	vmul.f32 v22, v18;
	_ =	sdelay $0x1  }
0x15e: {  	v16 =	vadd.f32 v17, v16;
	_ =	sdelay $0x1  }
0x15f: {  	[tilespmem:$0x10630] =	vst v16  }
0x160: {  	v16 =	vld [tilespmem:s30+$0x8500]  }
0x161: {  	v17 =	vld [tilespmem:s30+$0x8510]  }
0x162: {  	v18 =	vld [tilespmem:s30+$0x500]  }
0x163: {  	v19 =	vld [tilespmem:s30+$0x510]  }
0x164: {  	v20 =	vld [tilespmem:s30+$0x520]  }
0x165: {  	v21 =	vld [tilespmem:s30+$0x8520]  }
0x166: {  	v22 =	vld [tilespmem:s30+$0x8530]  }
0x167: {  	v16 =	vmul.f32 v16, v18;
	v18 =	vld [tilespmem:s30+$0x530]  }
0x168: {  	v17 =	vmul.f32 v17, v19;
	_ =	sdelay $0x1  }
0x169: {  	v16 =	vadd.f32 v17, v16;
	v17 =	vmul.f32 v21, v20;
	_ =	sdelay $0x1  }
0x16a: {  	v16 =	vadd.f32 v17, v16;
	v17 =	vmul.f32 v22, v18;
	_ =	sdelay $0x1  }
0x16b: {  	v16 =	vadd.f32 v17, v16;
	_ =	sdelay $0x1  }
0x16c: {  	[tilespmem:$0x10640] =	vst v16  }
0x16d: {  	v16 =	vld [tilespmem:s30+$0x8540]  }
0x16e: {  	v17 =	vld [tilespmem:s30+$0x8550]  }
0x16f: {  	v18 =	vld [tilespmem:s30+$0x540]  }
0x170: {  	v19 =	vld [tilespmem:s30+$0x550]  }
0x171: {  	v20 =	vld [tilespmem:s30+$0x560]  }
0x172: {  	v21 =	vld [tilespmem:s30+$0x8560]  }
0x173: {  	v22 =	vld [tilespmem:s30+$0x8570]  }
0x174: {  	v16 =	vmul.f32 v16, v18;
	v18 =	vld [tilespmem:s30+$0x570]  }
0x175: {  	v17 =	vmul.f32 v17, v19;
	_ =	sdelay $0x1  }
0x176: {  	v16 =	vadd.f32 v17, v16;
	v17 =	vmul.f32 v21, v20;
	_ =	sdelay $0x1  }
0x177: {  	v16 =	vadd.f32 v17, v16;
	v17 =	vmul.f32 v22, v18;
	_ =	sdelay $0x1  }
0x178: {  	v16 =	vadd.f32 v17, v16;
	_ =	sdelay $0x1  }
0x179: {  	[tilespmem:$0x10650] =	vst v16  }
0x17a: {  	v16 =	vld [tilespmem:s30+$0x8580]  }
0x17b: {  	v17 =	vld [tilespmem:s30+$0x8590]  }
0x17c: {  	v18 =	vld [tilespmem:s30+$0x590]  }
0x17d: {  	v19 =	vld [tilespmem:s30+$0x580]  }
0x17e: {  	v20 =	vld [tilespmem:s30+$0x85A0]  }
0x17f: {  	v21 =	vld [tilespmem:s30+$0x5A0]  }
0x180: {  	v22 =	vld [tilespmem:s30+$0x85B0]  }
0x181: {  	v17 =	vmul.f32 v17, v18;
	v18 =	vld [tilespmem:s30+$0x5B0]  }
0x182: {  	v16 =	vmul.f32 v16, v19;
	_ =	sdelay $0x1  }
0x183: {  	v16 =	vadd.f32 v17, v16;
	v17 =	vmul.f32 v20, v21;
	_ =	sdelay $0x1  }
0x184: {  	v16 =	vadd.f32 v17, v16;
	v17 =	vmul.f32 v22, v18;
	_ =	sdelay $0x1  }
0x185: {  	v16 =	vadd.f32 v17, v16;
	_ =	sdelay $0x1  }
0x186: {  	[tilespmem:$0x10660] =	vst v16  }
0x187: {  	v16 =	vld [tilespmem:s30+$0x5C0]  }
0x188: {  	v17 =	vld [tilespmem:s30+$0x85C0]  }
0x189: {  	v18 =	vld [tilespmem:s30+$0x85D0]  }
0x18a: {  	v19 =	vld [tilespmem:s30+$0x5D0]  }
0x18b: {  	v20 =	vld [tilespmem:s30+$0x85E0]  }
0x18c: {  	v21 =	vld [tilespmem:s30+$0x5E0]  }
0x18d: {  	v16 =	vmul.f32 v17, v16;
	v17 =	vld [tilespmem:s30+$0x85F0]  }
0x18e: {  	v22 =	vld [tilespmem:s30+$0x5F0]  }
0x18f: {  	v18 =	vmul.f32 v18, v19;
	_ =	sdelay $0x1  }
0x190: {  	v16 =	vadd.f32 v18, v16;
	v18 =	vmul.f32 v20, v21;
	_ =	sdelay $0x1  }
0x191: {  	v16 =	vadd.f32 v18, v16;
	v17 =	vmul.f32 v17, v22;
	_ =	sdelay $0x1  }
0x192: {  	v16 =	vadd.f32 v17, v16;
	_ =	sdelay $0x1  }
0x193: {  	[tilespmem:$0x10670] =	vst v16  }
0x194: {  	v16 =	vld [tilespmem:s30+$0x8600]  }
0x195: {  	v17 =	vld [tilespmem:s30+$0x8610]  }
0x196: {  	v18 =	vld [tilespmem:s30+$0x600]  }
0x197: {  	v19 =	vld [tilespmem:s30+$0x610]  }
0x198: {  	v20 =	vld [tilespmem:s30+$0x8620]  }
0x199: {  	v21 =	vld [tilespmem:s30+$0x620]  }
0x19a: {  	v22 =	vld [tilespmem:s30+$0x8630]  }
0x19b: {  	v16 =	vmul.f32 v16, v18;
	v18 =	vld [tilespmem:s30+$0x630]  }
0x19c: {  	v17 =	vmul.f32 v17, v19;
	_ =	sdelay $0x1  }
0x19d: {  	v16 =	vadd.f32 v17, v16;
	v17 =	vmul.f32 v20, v21;
	_ =	sdelay $0x1  }
0x19e: {  	v16 =	vadd.f32 v17, v16;
	v17 =	vmul.f32 v22, v18;
	_ =	sdelay $0x1  }
0x19f: {  	v16 =	vadd.f32 v17, v16;
	_ =	sdelay $0x1  }
0x1a0: {  	[tilespmem:$0x10680] =	vst v16  }
0x1a1: {  	v16 =	vld [tilespmem:s30+$0x8640]  }
0x1a2: {  	v17 =	vld [tilespmem:s30+$0x8650]  }
0x1a3: {  	v18 =	vld [tilespmem:s30+$0x650]  }
0x1a4: {  	v19 =	vld [tilespmem:s30+$0x640]  }
0x1a5: {  	v20 =	vld [tilespmem:s30+$0x660]  }
0x1a6: {  	v21 =	vld [tilespmem:s30+$0x8660]  }
0x1a7: {  	v22 =	vld [tilespmem:s30+$0x670]  }
0x1a8: {  	v17 =	vmul.f32 v17, v18;
	v18 =	vld [tilespmem:s30+$0x8670]  }
0x1a9: {  	v16 =	vmul.f32 v16, v19;
	_ =	sdelay $0x1  }
0x1aa: {  	v16 =	vadd.f32 v17, v16;
	v17 =	vmul.f32 v21, v20;
	_ =	sdelay $0x1  }
0x1ab: {  	v16 =	vadd.f32 v17, v16;
	v17 =	vmul.f32 v18, v22;
	_ =	sdelay $0x1  }
0x1ac: {  	v16 =	vadd.f32 v17, v16;
	_ =	sdelay $0x1  }
0x1ad: {  	[tilespmem:$0x10690] =	vst v16  }
0x1ae: {  	v16 =	vld [tilespmem:s30+$0x8690]  }
0x1af: {  	v17 =	vld [tilespmem:s30+$0x8680]  }
0x1b0: {  	v18 =	vld [tilespmem:s30+$0x680]  }
0x1b1: {  	v19 =	vld [tilespmem:s30+$0x690]  }
0x1b2: {  	v20 =	vld [tilespmem:s30+$0x6A0]  }
0x1b3: {  	v21 =	vld [tilespmem:s30+$0x86A0]  }
0x1b4: {  	v22 =	vld [tilespmem:s30+$0x6B0]  }
0x1b5: {  	v17 =	vmul.f32 v17, v18;
	v18 =	vld [tilespmem:s30+$0x86B0]  }
0x1b6: {  	v16 =	vmul.f32 v16, v19;
	_ =	sdelay $0x1  }
0x1b7: {  	v16 =	vadd.f32 v16, v17;
	v17 =	vmul.f32 v21, v20;
	_ =	sdelay $0x1  }
0x1b8: {  	v16 =	vadd.f32 v17, v16;
	v17 =	vmul.f32 v18, v22;
	_ =	sdelay $0x1  }
0x1b9: {  	v16 =	vadd.f32 v17, v16;
	_ =	sdelay $0x1  }
0x1ba: {  	[tilespmem:$0x106A0] =	vst v16  }
0x1bb: {  	v16 =	vld [tilespmem:s30+$0x86C0]  }
0x1bc: {  	v17 =	vld [tilespmem:s30+$0x86D0]  }
0x1bd: {  	v18 =	vld [tilespmem:s30+$0x6C0]  }
0x1be: {  	v19 =	vld [tilespmem:s30+$0x6D0]  }
0x1bf: {  	v20 =	vld [tilespmem:s30+$0x6E0]  }
0x1c0: {  	v21 =	vld [tilespmem:s30+$0x86E0]  }
0x1c1: {  	v22 =	vld [tilespmem:s30+$0x6F0]  }
0x1c2: {  	v16 =	vmul.f32 v16, v18;
	v18 =	vld [tilespmem:s30+$0x86F0]  }
0x1c3: {  	v17 =	vmul.f32 v17, v19;
	_ =	sdelay $0x1  }
0x1c4: {  	v16 =	vadd.f32 v17, v16;
	v17 =	vmul.f32 v21, v20;
	_ =	sdelay $0x1  }
0x1c5: {  	v16 =	vadd.f32 v17, v16;
	v17 =	vmul.f32 v18, v22;
	_ =	sdelay $0x1  }
0x1c6: {  	v16 =	vadd.f32 v17, v16;
	_ =	sdelay $0x1  }
0x1c7: {  	[tilespmem:$0x106B0] =	vst v16  }
0x1c8: {  	v16 =	vld [tilespmem:s30+$0x8700]  }
0x1c9: {  	v17 =	vld [tilespmem:s30+$0x8710]  }
0x1ca: {  	v18 =	vld [tilespmem:s30+$0x700]  }
0x1cb: {  	v19 =	vld [tilespmem:s30+$0x710]  }
0x1cc: {  	v20 =	vld [tilespmem:s30+$0x720]  }
0x1cd: {  	v21 =	vld [tilespmem:s30+$0x8720]  }
0x1ce: {  	v22 =	vld [tilespmem:s30+$0x730]  }
0x1cf: {  	v16 =	vmul.f32 v16, v18;
	v18 =	vld [tilespmem:s30+$0x8730]  }
0x1d0: {  	v17 =	vmul.f32 v17, v19;
	_ =	sdelay $0x1  }
0x1d1: {  	v16 =	vadd.f32 v17, v16;
	v17 =	vmul.f32 v21, v20;
	_ =	sdelay $0x1  }
0x1d2: {  	v16 =	vadd.f32 v17, v16;
	v17 =	vmul.f32 v18, v22;
	_ =	sdelay $0x1  }
0x1d3: {  	v16 =	vadd.f32 v17, v16;
	_ =	sdelay $0x1  }
0x1d4: {  	[tilespmem:$0x106C0] =	vst v16  }
0x1d5: {  	v16 =	vld [tilespmem:s30+$0x8740]  }
0x1d6: {  	v17 =	vld [tilespmem:s30+$0x8750]  }
0x1d7: {  	v18 =	vld [tilespmem:s30+$0x740]  }
0x1d8: {  	v19 =	vld [tilespmem:s30+$0x750]  }
0x1d9: {  	v20 =	vld [tilespmem:s30+$0x760]  }
0x1da: {  	v21 =	vld [tilespmem:s30+$0x8760]  }
0x1db: {  	v22 =	vld [tilespmem:s30+$0x770]  }
0x1dc: {  	v16 =	vmul.f32 v16, v18;
	v18 =	vld [tilespmem:s30+$0x8770]  }
0x1dd: {  	v17 =	vmul.f32 v17, v19;
	_ =	sdelay $0x1  }
0x1de: {  	v16 =	vadd.f32 v17, v16;
	v17 =	vmul.f32 v21, v20;
	_ =	sdelay $0x1  }
0x1df: {  	v16 =	vadd.f32 v17, v16;
	v17 =	vmul.f32 v18, v22;
	_ =	sdelay $0x1  }
0x1e0: {  	v16 =	vadd.f32 v17, v16;
	_ =	sdelay $0x1  }
0x1e1: {  	[tilespmem:$0x106D0] =	vst v16  }
0x1e2: {  	v16 =	vld [tilespmem:s30+$0x8780]  }
0x1e3: {  	v17 =	vld [tilespmem:s30+$0x8790]  }
0x1e4: {  	v18 =	vld [tilespmem:s30+$0x780]  }
0x1e5: {  	v19 =	vld [tilespmem:s30+$0x790]  }
0x1e6: {  	v20 =	vld [tilespmem:s30+$0x7A0]  }
0x1e7: {  	v21 =	vld [tilespmem:s30+$0x87A0]  }
0x1e8: {  	v22 =	vld [tilespmem:s30+$0x7B0]  }
0x1e9: {  	v16 =	vmul.f32 v16, v18;
	v18 =	vld [tilespmem:s30+$0x87B0]  }
0x1ea: {  	v17 =	vmul.f32 v17, v19;
	_ =	sdelay $0x1  }
0x1eb: {  	v16 =	vadd.f32 v17, v16;
	v17 =	vmul.f32 v21, v20;
	_ =	sdelay $0x1  }
0x1ec: {  	v16 =	vadd.f32 v17, v16;
	v17 =	vmul.f32 v18, v22;
	_ =	sdelay $0x1  }
0x1ed: {  	v16 =	vadd.f32 v17, v16;
	_ =	sdelay $0x1  }
0x1ee: {  	[tilespmem:$0x106E0] =	vst v16  }
.Ltmp0:
0x1ef: {  	v16 =	vld [tilespmem:s30+$0x87C0];
	(pc) =	sbr.rel @p0 .LBB2_2-.Ltmp0, $4  }
0x1f0: {  	v19 =	vld [tilespmem:s30+$0x7C0]  }
0x1f1: {  	v17 =	vld [tilespmem:s30+$0x87D0]  }
0x1f2: {  	v20 =	vld [tilespmem:s30+$0x7D0]  }
0x1f3: {  	v18 =	vld [tilespmem:s30+$0x7E0]  }
0x1f4: {  	v21 =	vld [tilespmem:s30+$0x87E0]  }
0x1f5: {  	v22 =	vld [tilespmem:s30+$0x7F0]  }
0x1f6: {  	v23 =	vld [tilespmem:s30+$0x87F0]  }
0x1f7: {  	v16 =	vmul.f32 v16, v19;
	v17 =	vmul.f32 v17, v20;
	_ =	sdelay $0x1  }
0x1f8: {  	v16 =	vadd.f32 v17, v16;
	v17 =	vmul.f32 v21, v18;
	_ =	sdelay $0x1  }
0x1f9: {  	v16 =	vadd.f32 v17, v16;
	v17 =	vmul.f32 v23, v22;
	_ =	sdelay $0x1  }
0x1fa: {  	v16 =	vadd.f32 v17, v16;
	_ =	sdelay $0x1  }
0x1fb: {  	[tilespmem:$0x106F0] =	vst v16  }
0x1fc: {  	v16 =	vld.idx.msk [tilespmem:v0+s26+$0x0], $0xffff  }
0x1fd: {  	v17 =	vld.idx.msk [tilespmem:v1+s26+$0x0], $0xffff;
	_ =	sdelay $0x1  }
0x1fe: {  	v54 =	vld.idx.msk [tilespmem:v2+s26+$0x0], $0xffff;
	_ =	sdelay $0x1  }
0x1ff: {  	v55 =	vld.idx.msk [tilespmem:v3+s26+$0x0], $0xffff  }
0x200: {  	v16 =	vadd.f32 v17, v16  }
0x201: {  	v17 =	vld.idx.msk [tilespmem:v4+s26+$0x0], $0xffff  }
0x202: {  	v16 =	vadd.f32 v54, v16  }
0x203: {  	v56 =	vld.idx.msk [tilespmem:v5+s26+$0x0], $0xffff  }
0x204: {  	v16 =	vadd.f32 v55, v16  }
0x205: {  	v57 =	vld.idx.msk [tilespmem:v6+s26+$0x0], $0xffff  }
0x206: {  	v16 =	vadd.f32 v17, v16  }
0x207: {  	v17 =	vld.idx.msk [tilespmem:v7+s26+$0x0], $0xffff  }
0x208: {  	v16 =	vadd.f32 v56, v16  }
0x209: {  	v58 =	vld.idx.msk [tilespmem:v8+s26+$0x0], $0xffff  }
0x20a: {  	v16 =	vadd.f32 v57, v16  }
0x20b: {  	v59 =	vld.idx.msk [tilespmem:v9+s26+$0x0], $0xffff  }
0x20c: {  	v16 =	vadd.f32 v17, v16  }
0x20d: {  	v17 =	vld.idx.msk [tilespmem:v10+s26+$0x0], $0xffff  }
0x20e: {  	v16 =	vadd.f32 v58, v16  }
0x20f: {  	v60 =	vld.idx.msk [tilespmem:v11+s26+$0x0], $0xffff  }
0x210: {  	v16 =	vadd.f32 v59, v16  }
0x211: {  	v61 =	vld.idx.msk [tilespmem:v12+s26+$0x0], $0xffff  }
0x212: {  	v16 =	vadd.f32 v17, v16  }
0x213: {  	v17 =	vld.idx.msk [tilespmem:v13+s26+$0x0], $0xffff  }
0x214: {  	v16 =	vadd.f32 v60, v16  }
0x215: {  	v62 =	vld.idx.msk [tilespmem:v14+s26+$0x0], $0xffff  }
0x216: {  	v16 =	vadd.f32 v61, v16  }
0x217: {  	v63 =	vld.idx.msk [tilespmem:v15+s26+$0x0], $0xffff  }
0x218: {  	v16 =	vadd.f32 v17, v16;
	_ =	sdelay $0x1  }
0x219: {  	v16 =	vadd.f32 v62, v16;
	_ =	sdelay $0x1  }
0x21a: {  	s29 =	sadd.s32 $0x1, s29;
	v16 =	vadd.f32 v63, v16  }
0x21b: {  	p0 =	sne.s32 s29, s8  }
.Ltmp1:
0x21c: {  	[tilespmem:s31+$0x0] =	vst v16;
	(pc) =	sbr.rel @p0 .LBB2_1-.Ltmp1, $4  }
0x21d: {  	[hbm4b:s7+s1] =	stream.linear.scatter [tilespmem:s28], [sflag:$0x2], $0x200, $0x38;
	[tilespmem:$0x10700] =	vst v63  }
0x21e: {  	_ =	swait.ge [sflag:s9], $0x200  }
0x21f: {  	[sflag:s9] =	ssyncset.done $0x0  }
0x220: {  	[sflag:s9] =	ssyncadd.s32 $0xFFFFFE00  }
0x221: {  	_ =	sfence.sel $0x180000  }
0x222: {  	[bflag:$0x0] =	sbarrier.arrive $0xFFFF  }
0x223: {  	_ =	strace $0x90000047  }
0x224: {  	s0 =	stileid.u32;
	[bflag:$0x2] =	sbarrier.arrive $0xFFFF  }
0x225: {  	p0 =	sne.s32 s0, $0x0;
	s0 =	rddreg [dreg:$0x4]  }
0x226: {  	s0 =	sadd.s32 @!p0 $0x100000, s0  }
0x227: {  	[sflag:s0] =	ssyncadd.tile.s32 @!p0 $0x1;
	_ =	shalt  }
.Lfunc_end2:
_tile_overlayer_lowered:
.L_overlay_start_2:
0x228: {  	(tag) =	ssettag $0x2  }
0x229: {  	s0 =	rddreg [dreg:$0x0];
	s2 =	stileid.u32  }
0x22a: {  	s1 =	rddreg [dreg:$0x1];
	p0 =	sne.s32 s2, $0x0  }
0x22b: {  	s3 =	rddreg [dreg:$0x2];
	[bflag:$0x3] =	sbarrier.arrive $0xFFFF;
	s2 =	simm.s32 @!p0 $0x1C02  }
0x22c: {  	[timem:s3], [sflag:s2] =	dma.local @!p0 [hbm:s0], s1  }
0x22d: {  	s0 =	simm.s32 @!p0 $0x2  }
0x22e: {  	_ =	swait.ge @!p0 [sflag:s0], s1  }
0x22f: {  	s1 =	ssub.s32 @!p0 $0x0, s1;
	[sflag:s0] =	ssyncset.done @!p0 $0x0  }
0x230: {  	[sflag:s0] =	ssyncadd.s32 @!p0 s1  }
0x231: {  	[bflag:$0x3] =	sbarrier.arrive $0xFFFF  }
0x232: {  	_ =	shalt  }

</sc_bundles>
